<compile_context>
chip_gen: v7x
topology: tpu7x:2x2x1
jax: 0.10.2.dev20260603
libtpu: 0.0.44.dev20260713+nightly
codegen_flags: <defaults>
</compile_context>

<pallas_src>
import functools

import jax
import jax.numpy as jnp
from jax import lax
from jax.experimental import pallas as pl
from jax.experimental.pallas import tpu as pltpu
from jax.experimental.pallas import tpu_sc as plsc

N = 10000
E = 320000
DIN = 128
DH = 32
DOUT = 20

NW = 32
K = 4
CBN = DH // K
G = NW // CBN
EG = E // G
C = 2000
EW = E // NW
L = 16


def _seg_body(with_counts, *refs):
    if with_counts:
        (y_hbm, src_hbm, dst_hbm, zer_hbm,
         part_hbm, cnt_hbm, table, acc, srcb, dstb, cntv) = refs
    else:
        (y_hbm, src_hbm, dst_hbm, zer_hbm,
         part_hbm, table, acc, srcb, dstb) = refs

    c = lax.axis_index("c")
    s = lax.axis_index("s")
    wid = s * 2 + c
    cb = wid % CBN
    g = wid // CBN
    c0 = cb * K

    pltpu.sync_copy(y_hbm.at[pl.ds(c0, K)], table)
    pltpu.sync_copy(zer_hbm, acc)

    ebase = g * EG

    def chunk_body(j, _):
        off = ebase + j * C
        pltpu.sync_copy(src_hbm.at[pl.ds(off, C)], srcb)
        pltpu.sync_copy(dst_hbm.at[pl.ds(off, C)], dstb)

        def inner(i, _):
            s16 = srcb[pl.ds(i * L, L)]
            d16 = dstb[pl.ds(i * L, L)]
            for k in range(K):
                kv = jnp.full((L,), k, jnp.int32)
                vals = plsc.load_gather(table, [kv, s16])
                plsc.addupdate_scatter(acc, [kv, d16], vals)
            return 0

        lax.fori_loop(0, C // L, inner, 0)
        return 0

    lax.fori_loop(0, EG // C, chunk_body, 0)
    pltpu.sync_copy(acc, part_hbm.at[g, pl.ds(c0, K)])

    if with_counts:
        def zbody(i, _):
            cntv[pl.ds(i * L, L)] = jnp.zeros((L,), jnp.float32)
            return 0

        lax.fori_loop(0, N // L, zbody, 0)
        ones = jnp.full((L,), 1.0, jnp.float32)
        cbase = wid * EW

        def cchunk(j, _):
            pltpu.sync_copy(dst_hbm.at[pl.ds(cbase + j * C, C)], dstb)

            def cinner(i, _):
                d16 = dstb[pl.ds(i * L, L)]
                plsc.addupdate_scatter(cntv, [d16], ones)
                return 0

            lax.fori_loop(0, C // L, cinner, 0)
            return 0

        lax.fori_loop(0, EW // C, cchunk, 0)
        pltpu.sync_copy(cntv, cnt_hbm.at[wid])


def _make_seg(with_counts):
    mesh = plsc.VectorSubcoreMesh(core_axis_name="c", subcore_axis_name="s")
    out_type = [jax.ShapeDtypeStruct((G, DH, N), jnp.float32)]
    if with_counts:
        out_type.append(jax.ShapeDtypeStruct((NW, N), jnp.float32))
    scratch = [
        pltpu.VMEM((K, N), jnp.float32),
        pltpu.VMEM((K, N), jnp.float32),
        pltpu.VMEM((C,), jnp.int32),
        pltpu.VMEM((C,), jnp.int32),
    ]
    if with_counts:
        scratch.append(pltpu.VMEM((N,), jnp.float32))
    return pl.kernel(
        functools.partial(_seg_body, with_counts),
        out_type=tuple(out_type) if with_counts else out_type[0],
        mesh=mesh,
        scratch_types=scratch,
        compiler_params=pltpu.CompilerParams(use_tc_tiling_on_sc=False,
                                             needs_layout_passes=False),
    )


_seg_with_counts = _make_seg(True)
_seg_no_counts = _make_seg(False)


_R = 2048
_NSTEP = (N + _R - 1) // _R


def _stage1(x, w1c):
    def body(xr, wr, outr):
        outr[...] = lax.dot_general(wr[...], xr[...],
                                    (((1,), (1,)), ((), ())),
                                    preferred_element_type=jnp.float32)

    return pl.pallas_call(
        body,
        grid=(_NSTEP,),
        in_specs=[pl.BlockSpec((_R, DIN), lambda i: (i, 0)),
                  pl.BlockSpec((2 * DH, DIN), lambda i: (0, 0))],
        out_specs=pl.BlockSpec((2 * DH, _R), lambda i: (0, i)),
        out_shape=jax.ShapeDtypeStruct((2 * DH, N), jnp.float32),
    )(x, w1c)


def _post_agg(pr, cr, yr, blr):
    psum = jnp.sum(pr[...], axis=0)
    cs = jnp.dot(jnp.ones((1, NW), jnp.float32), cr[...],
                 preferred_element_type=jnp.float32)
    mean = psum / jnp.maximum(cs, 1.0)
    t = mean + blr[...] + yr[...][DH:, :]
    nrm = jnp.sqrt(jnp.sum(t * t, axis=0, keepdims=True))
    return jnp.tanh(t / jnp.maximum(nrm, 1e-12))


def _stage_mid(part, cnt, y, bl, w2c):
    def body(pr, cr, yr, blr, wr, outr):
        h = _post_agg(pr, cr, yr, blr)
        outr[...] = jnp.dot(wr[...], h, preferred_element_type=jnp.float32)

    return pl.pallas_call(
        body,
        grid=(_NSTEP,),
        in_specs=[pl.BlockSpec((G, DH, _R), lambda i: (0, 0, i)),
                  pl.BlockSpec((NW, _R), lambda i: (0, i)),
                  pl.BlockSpec((2 * DH, _R), lambda i: (0, i)),
                  pl.BlockSpec((DH, 1), lambda i: (0, 0)),
                  pl.BlockSpec((2 * DH, DH), lambda i: (0, 0))],
        out_specs=pl.BlockSpec((2 * DH, _R), lambda i: (0, i)),
        out_shape=jax.ShapeDtypeStruct((2 * DH, N), jnp.float32),
    )(part, cnt, y, bl, w2c)


def _stage_out(part, cnt, y, bl, wc, bc):
    def body(pr, cr, yr, blr, wr, bcr, outr, hr):
        h = _post_agg(pr, cr, yr, blr)
        hr[...] = h
        logits = jnp.dot(wr[...], h, preferred_element_type=jnp.float32) + bcr[...]
        m = jnp.max(logits, axis=0, keepdims=True)
        lse = jnp.log(jnp.sum(jnp.exp(logits - m), axis=0, keepdims=True)) + m
        outr[...] = logits - lse

    return pl.pallas_call(
        body,
        grid=(_NSTEP,),
        in_specs=[pl.BlockSpec((G, DH, _R), lambda i: (0, 0, i)),
                  pl.BlockSpec((NW, _R), lambda i: (0, i)),
                  pl.BlockSpec((2 * DH, _R), lambda i: (0, i)),
                  pl.BlockSpec((DH, 1), lambda i: (0, 0)),
                  pl.BlockSpec((DOUT, DH), lambda i: (0, 0)),
                  pl.BlockSpec((DOUT, 1), lambda i: (0, 0))],
        out_specs=[pl.BlockSpec((DOUT, _R), lambda i: (0, i)),
                   pl.BlockSpec((DH, _R), lambda i: (0, i))],
        out_shape=[jax.ShapeDtypeStruct((DOUT, N), jnp.float32),
                   jax.ShapeDtypeStruct((DH, N), jnp.float32)],
    )(part, cnt, y, bl, wc, bc)


def kernel(x, edge_index, Wl1, bl1, Wr1, Wl2, bl2, Wr2, Wc, bc):
    ei = edge_index.astype(jnp.int32)
    src = ei[0]
    dst = ei[1]
    w1c = jnp.concatenate([Wl1, Wr1], axis=0)
    w2c = jnp.concatenate([Wl2, Wr2], axis=0)
    zer = jnp.zeros((K, N), jnp.float32)

    y1t = _stage1(x, w1c)
    part1, cntp = _seg_with_counts(y1t, src, dst, zer)
    y2t = _stage_mid(part1, cntp, y1t, bl1.reshape(-1, 1), w2c)
    part2 = _seg_no_counts(y2t, src, dst, zer)
    logp_t, h_t = _stage_out(part2, cntp, y2t, bl2.reshape(-1, 1),
                             Wc, bc.reshape(-1, 1))
    return (logp_t.T, h_t.T)

# --- scband reference (transcript-rebuilt; emitter-appended) ---
"""Pipeline reference for scband-graph-sage-33122787787018 (READ-ONLY COPY).

The authoritative reference and input builder live on the scoring server;
editing this copy changes nothing except your own understanding.
"""

import jax, jax.numpy as jnp
import numpy as np

N_NODES = 10000
N_EDGES = 320000
D_IN = 128
D_HID = 32
D_OUT = 20


def setup_inputs(seed: int = 0) -> dict:
    key = jax.random.key(seed)
    ks = jax.random.split(key, 12)
    x = jax.random.normal(ks[0], (N_NODES, D_IN), dtype=jnp.float32)
    edge_index = jax.random.randint(ks[1], (2, N_EDGES), 0, N_NODES, dtype=jnp.int64)
    # SAGEConv params: lin_l (aggregated neighbors, with bias), lin_r (root, no bias)
    Wl1 = jax.random.normal(ks[2], (D_HID, D_IN), dtype=jnp.float32) / np.sqrt(D_IN)
    bl1 = jnp.zeros((D_HID,), dtype=jnp.float32)
    Wr1 = jax.random.normal(ks[3], (D_HID, D_IN), dtype=jnp.float32) / np.sqrt(D_IN)
    Wl2 = jax.random.normal(ks[4], (D_HID, D_HID), dtype=jnp.float32) / np.sqrt(D_HID)
    bl2 = jnp.zeros((D_HID,), dtype=jnp.float32)
    Wr2 = jax.random.normal(ks[5], (D_HID, D_HID), dtype=jnp.float32) / np.sqrt(D_HID)
    Wc = jax.random.normal(ks[6], (D_OUT, D_HID), dtype=jnp.float32) / np.sqrt(D_HID)
    bc = jnp.zeros((D_OUT,), dtype=jnp.float32)
    return {"x": x, "edge_index": edge_index, "Wl1": Wl1, "bl1": bl1, "Wr1": Wr1,
            "Wl2": Wl2, "bl2": bl2, "Wr2": Wr2, "Wc": Wc, "bc": bc}


def _sage_conv(x, src, dst, Wl, bl, Wr):
    # mean aggregation of neighbor messages x_j at dst nodes
    msgs = jnp.take(x, src, axis=0)
    summed = jax.ops.segment_sum(msgs, dst, num_segments=N_NODES)
    cnt = jax.ops.segment_sum(jnp.ones((msgs.shape[0],), dtype=x.dtype), dst, num_segments=N_NODES)
    mean = summed / jnp.clip(cnt, 1.0)[:, None]
    out = mean @ Wl.T + bl + x @ Wr.T
    # normalize=True -> L2 normalize per node
    nrm = jnp.linalg.norm(out, axis=-1, keepdims=True)
    out = out / jnp.clip(nrm, 1e-12)
    return out


def reference(x, edge_index, Wl1, bl1, Wr1, Wl2, bl2, Wr2, Wc, bc):
    src = edge_index[0]
    dst = edge_index[1]
    h = jnp.tanh(_sage_conv(x, src, dst, Wl1, bl1, Wr1))
    h = jnp.tanh(_sage_conv(h, src, dst, Wl2, bl2, Wr2))
    logits = h @ Wc.T + bc
    out = jax.nn.log_softmax(logits, axis=1)
    return (out, h)

if __name__ == "__main__":
    import jax
    _d = setup_inputs()
    print(jax.jit(kernel)(*tuple(_d.values())))

</pallas_src>

<mosaic_0001>
#map = affine_map<(d0, d1) -> (0, 0)>
#map1 = affine_map<(d0, d1) -> (0)>
#map2 = affine_map<(d0, d1) -> (0, 0, 0)>
module attributes {stable_mosaic.version = 14 : i64} {
  func.func @_seg_body(%arg0: i32, %arg1: i32, %arg2: memref<64x10000xf32, #tpu.memory_space<hbm>>, %arg3: memref<320000xi32, #tpu.memory_space<hbm>>, %arg4: memref<320000xi32, #tpu.memory_space<hbm>>, %arg5: memref<4x10000xf32, #tpu.memory_space<hbm>>, %arg6: memref<4x32x10000xf32, #tpu.memory_space<hbm>>, %arg7: memref<4x10000xf32, #tpu.memory_space<vmem>>, %arg8: memref<4x10000xf32, #tpu.memory_space<vmem>>, %arg9: memref<2000xi32, #tpu.memory_space<vmem>>, %arg10: memref<2000xi32, #tpu.memory_space<vmem>>) attributes {dimension_semantics = [#tpu.dimension_semantics<core_parallel>, #tpu.dimension_semantics<subcore_parallel>], iteration_bounds = array<i64: 2, 16>, scalar_prefetch = 0 : i64, scratch_operands = 4 : i64, tpu.core_type = #tpu.core_type<sc_vector_subcore>, window_params = [{transform_indices = #map}, {transform_indices = #map1}, {transform_indices = #map1}, {transform_indices = #map}, {transform_indices = #map2}]} {
    %mul3A = arith.constant 2 : i32
    %mul3A_0 = arith.muli %arg1, %mul3A : i32
    %add3A = arith.addi %mul3A_0, %arg0 : i32
    %jit3A = arith.constant 8 : i32
    %eq3A = arith.constant 0 : i32
    %eq3A_1 = arith.cmpi eq, %jit3A, %eq3A : i32
    %jit3A_2 = arith.constant 1 : i32
    %select_n3A = arith.select %eq3A_1, %jit3A_2, %jit3A : i32
    %rem3A = arith.remsi %add3A, %select_n3A : i32
    %ne3A = arith.constant 0 : i32
    %ne3A_3 = arith.cmpi ne, %rem3A, %ne3A : i32
    %lt3A = arith.constant 0 : i32
    %lt3A_4 = arith.cmpi slt, %rem3A, %lt3A : i32
    %lt3A_5 = arith.constant 0 : i32
    %lt3A_6 = arith.cmpi slt, %select_n3A, %lt3A_5 : i32
    %ne3A_7 = arith.xori %lt3A_4, %lt3A_6 : i1
    %and3A = arith.andi %ne3A_7, %ne3A_3 : i1
    %add3A_8 = arith.addi %rem3A, %select_n3A : i32
    %select_n3A_9 = arith.select %and3A, %add3A_8, %rem3A : i32
    %jit3A_10 = arith.constant 8 : i32
    %div3A = arith.divsi %add3A, %jit3A_10 : i32
    %sign3A = arith.constant 0 : i32
    %sign3A_11 = arith.cmpi sgt, %add3A, %sign3A : i32
    %sign3A_12 = arith.extui %sign3A_11 : i1 to i32
    %sign3A_13 = arith.constant 0 : i32
    %sign3A_14 = arith.cmpi slt, %add3A, %sign3A_13 : i32
    %sign3A_15 = arith.extui %sign3A_14 : i1 to i32
    %sign3A_16 = arith.subi %sign3A_12, %sign3A_15 : i32
    %sign3A_17 = arith.constant 0 : i32
    %sign3A_18 = arith.cmpi sgt, %jit3A_10, %sign3A_17 : i32
    %sign3A_19 = arith.extui %sign3A_18 : i1 to i32
    %sign3A_20 = arith.constant 0 : i32
    %sign3A_21 = arith.cmpi slt, %jit3A_10, %sign3A_20 : i32
    %sign3A_22 = arith.extui %sign3A_21 : i1 to i32
    %sign3A_23 = arith.subi %sign3A_19, %sign3A_22 : i32
    %ne3A_24 = arith.cmpi ne, %sign3A_16, %sign3A_23 : i32
    %rem3A_25 = arith.remsi %add3A, %jit3A_10 : i32
    %ne3A_26 = arith.constant 0 : i32
    %ne3A_27 = arith.cmpi ne, %rem3A_25, %ne3A_26 : i32
    %and3A_28 = arith.andi %ne3A_24, %ne3A_27 : i1
    %sub3A = arith.constant 1 : i32
    %sub3A_29 = arith.subi %div3A, %sub3A : i32
    %select_n3A_30 = arith.select %and3A_28, %sub3A_29, %div3A : i32
    %mul3A_31 = arith.constant 4 : i32
    %mul3A_32 = arith.muli %select_n3A_9, %mul3A_31 : i32
    "tpu.region"() ({
      %run_scoped3A = tpu.sem_alloc : memref<!tpu.dma_semaphore, #tpu.memory_space<semaphore_mem>>
      %dma_start3A = arith.constant 0 : i32
      %dma_start3A_41 = tpu.memref_slice %arg2[%mul3A_32, %dma_start3A] : memref<64x10000xf32, #tpu.memory_space<hbm>> -> memref<4x10000xf32, #tpu.memory_space<hbm>>
      %dma_start3A_42 = arith.constant 0 : i32
      %dma_start3A_43 = tpu.memref_slice %arg2[%mul3A_32, %dma_start3A_42] : memref<64x10000xf32, #tpu.memory_space<hbm>> -> memref<4x10000xf32, #tpu.memory_space<hbm>>
      tpu.enqueue_dma source(%dma_start3A_43 : memref<4x10000xf32, #tpu.memory_space<hbm>>) target(%arg7 : memref<4x10000xf32, #tpu.memory_space<vmem>>) target_semaphore(%run_scoped3A : memref<!tpu.dma_semaphore, #tpu.memory_space<semaphore_mem>>)
      %dma_wait3A = arith.constant 0 : i32
      %dma_wait3A_44 = tpu.memref_slice %arg2[%mul3A_32, %dma_wait3A] : memref<64x10000xf32, #tpu.memory_space<hbm>> -> memref<4x10000xf32, #tpu.memory_space<hbm>>
      %dma_wait3A_45 = arith.constant 0 : i32
      %dma_wait3A_46 = tpu.memref_slice %arg2[%mul3A_32, %dma_wait3A_45] : memref<64x10000xf32, #tpu.memory_space<hbm>> -> memref<4x10000xf32, #tpu.memory_space<hbm>>
      tpu.wait_dma2 semaphore(%run_scoped3A : memref<!tpu.dma_semaphore, #tpu.memory_space<semaphore_mem>>) src(%dma_wait3A_46 : memref<4x10000xf32, #tpu.memory_space<hbm>>) dst(%arg7 : memref<4x10000xf32, #tpu.memory_space<vmem>>)
      tpu.yield
    }) : () -> ()
    "tpu.region"() ({
      %run_scoped3A = tpu.sem_alloc : memref<!tpu.dma_semaphore, #tpu.memory_space<semaphore_mem>>
      tpu.enqueue_dma source(%arg5 : memref<4x10000xf32, #tpu.memory_space<hbm>>) target(%arg8 : memref<4x10000xf32, #tpu.memory_space<vmem>>) target_semaphore(%run_scoped3A : memref<!tpu.dma_semaphore, #tpu.memory_space<semaphore_mem>>)
      tpu.wait_dma2 semaphore(%run_scoped3A : memref<!tpu.dma_semaphore, #tpu.memory_space<semaphore_mem>>) src(%arg5 : memref<4x10000xf32, #tpu.memory_space<hbm>>) dst(%arg8 : memref<4x10000xf32, #tpu.memory_space<vmem>>)
      tpu.yield
    }) : () -> ()
    %mul3A_33 = arith.constant 80000 : i32
    %mul3A_34 = arith.muli %select_n3A_30, %mul3A_33 : i32
    %scan3A = arith.constant 0 : i32
    %scan3A_35 = arith.constant 0 : i32
    %scan3A_36 = arith.constant 40 : i32
    %scan3A_37 = arith.addi %scan3A_35, %scan3A_36 : i32
    %scan3A_38 = arith.constant 1 : i32
    %scan3A_39 = scf.for %scan3A_41 = %scan3A_35 to %scan3A_37 step %scan3A_38 iter_args(%scan3A_42 = %scan3A) -> (i32)  : i32 {
      %mul3A_43 = arith.constant 2000 : i32
      %mul3A_44 = arith.muli %scan3A_41, %mul3A_43 : i32
      %add3A_45 = arith.addi %mul3A_34, %mul3A_44 : i32
      "tpu.region"() ({
        %run_scoped3A = tpu.sem_alloc : memref<!tpu.dma_semaphore, #tpu.memory_space<semaphore_mem>>
        %dma_start3A = tpu.memref_slice %arg3[%add3A_45] : memref<320000xi32, #tpu.memory_space<hbm>> -> memref<2000xi32, #tpu.memory_space<hbm>>
        %dma_start3A_54 = tpu.memref_slice %arg3[%add3A_45] : memref<320000xi32, #tpu.memory_space<hbm>> -> memref<2000xi32, #tpu.memory_space<hbm>>
        tpu.enqueue_dma source(%dma_start3A_54 : memref<2000xi32, #tpu.memory_space<hbm>>) target(%arg9 : memref<2000xi32, #tpu.memory_space<vmem>>) target_semaphore(%run_scoped3A : memref<!tpu.dma_semaphore, #tpu.memory_space<semaphore_mem>>)
        %dma_wait3A = tpu.memref_slice %arg3[%add3A_45] : memref<320000xi32, #tpu.memory_space<hbm>> -> memref<2000xi32, #tpu.memory_space<hbm>>
        %dma_wait3A_55 = tpu.memref_slice %arg3[%add3A_45] : memref<320000xi32, #tpu.memory_space<hbm>> -> memref<2000xi32, #tpu.memory_space<hbm>>
        tpu.wait_dma2 semaphore(%run_scoped3A : memref<!tpu.dma_semaphore, #tpu.memory_space<semaphore_mem>>) src(%dma_wait3A_55 : memref<2000xi32, #tpu.memory_space<hbm>>) dst(%arg9 : memref<2000xi32, #tpu.memory_space<vmem>>)
        tpu.yield
      }) : () -> ()
      "tpu.region"() ({
        %run_scoped3A = tpu.sem_alloc : memref<!tpu.dma_semaphore, #tpu.memory_space<semaphore_mem>>
        %dma_start3A = tpu.memref_slice %arg4[%add3A_45] : memref<320000xi32, #tpu.memory_space<hbm>> -> memref<2000xi32, #tpu.memory_space<hbm>>
        %dma_start3A_54 = tpu.memref_slice %arg4[%add3A_45] : memref<320000xi32, #tpu.memory_space<hbm>> -> memref<2000xi32, #tpu.memory_space<hbm>>
        tpu.enqueue_dma source(%dma_start3A_54 : memref<2000xi32, #tpu.memory_space<hbm>>) target(%arg10 : memref<2000xi32, #tpu.memory_space<vmem>>) target_semaphore(%run_scoped3A : memref<!tpu.dma_semaphore, #tpu.memory_space<semaphore_mem>>)
        %dma_wait3A = tpu.memref_slice %arg4[%add3A_45] : memref<320000xi32, #tpu.memory_space<hbm>> -> memref<2000xi32, #tpu.memory_space<hbm>>
        %dma_wait3A_55 = tpu.memref_slice %arg4[%add3A_45] : memref<320000xi32, #tpu.memory_space<hbm>> -> memref<2000xi32, #tpu.memory_space<hbm>>
        tpu.wait_dma2 semaphore(%run_scoped3A : memref<!tpu.dma_semaphore, #tpu.memory_space<semaphore_mem>>) src(%dma_wait3A_55 : memref<2000xi32, #tpu.memory_space<hbm>>) dst(%arg10 : memref<2000xi32, #tpu.memory_space<vmem>>)
        tpu.yield
      }) : () -> ()
      %scan3A_46 = arith.constant 0 : i32
      %scan3A_47 = arith.constant 0 : i32
      %scan3A_48 = arith.constant 125 : i32
      %scan3A_49 = arith.addi %scan3A_47, %scan3A_48 : i32
      %scan3A_50 = arith.constant 1 : i32
      %scan3A_51 = scf.for %scan3A_54 = %scan3A_47 to %scan3A_49 step %scan3A_50 iter_args(%scan3A_55 = %scan3A_46) -> (i32)  : i32 {
        %mul3A_56 = arith.constant 16 : i32
        %mul3A_57 = arith.muli %scan3A_54, %mul3A_56 : i32
        %get3A = arith.index_cast %mul3A_57 : i32 to index
        %get3A_58 = tpu.vector_load %arg9[%get3A] {strides = array<i32>} : memref<2000xi32, #tpu.memory_space<vmem>>, vector<16xi32>,
        %mul3A_59 = arith.constant 16 : i32
        %mul3A_60 = arith.muli %scan3A_54, %mul3A_59 : i32
        %get3A_61 = arith.index_cast %mul3A_60 : i32 to index
        %get3A_62 = tpu.vector_load %arg10[%get3A_61] {strides = array<i32>} : memref<2000xi32, #tpu.memory_space<vmem>>, vector<16xi32>,
        %broadcast_in_dim3A = arith.constant 0 : i32
        %broadcast_in_dim3A_63 = vector.broadcast %broadcast_in_dim3A : i32 to vector<16xi32>
        %gather3A = tpu.vector_load_idx %arg7[%broadcast_in_dim3A_63, %get3A_58] : memref<4x10000xf32, #tpu.memory_space<vmem>>[vector<16xi32>, vector<16xi32>], vector<16xf32>,
        tpu.vector_store_idx %arg8[%broadcast_in_dim3A_63, %get3A_62], %gather3A {add = true} : memref<4x10000xf32, #tpu.memory_space<vmem>>[vector<16xi32>, vector<16xi32>], vector<16xf32>,
        %broadcast_in_dim3A_64 = arith.constant 1 : i32
        %broadcast_in_dim3A_65 = vector.broadcast %broadcast_in_dim3A_64 : i32 to vector<16xi32>
        %gather3A_66 = tpu.vector_load_idx %arg7[%broadcast_in_dim3A_65, %get3A_58] : memref<4x10000xf32, #tpu.memory_space<vmem>>[vector<16xi32>, vector<16xi32>], vector<16xf32>,
        tpu.vector_store_idx %arg8[%broadcast_in_dim3A_65, %get3A_62], %gather3A_66 {add = true} : memref<4x10000xf32, #tpu.memory_space<vmem>>[vector<16xi32>, vector<16xi32>], vector<16xf32>,
        %broadcast_in_dim3A_67 = arith.constant 2 : i32
        %broadcast_in_dim3A_68 = vector.broadcast %broadcast_in_dim3A_67 : i32 to vector<16xi32>
        %gather3A_69 = tpu.vector_load_idx %arg7[%broadcast_in_dim3A_68, %get3A_58] : memref<4x10000xf32, #tpu.memory_space<vmem>>[vector<16xi32>, vector<16xi32>], vector<16xf32>,
        tpu.vector_store_idx %arg8[%broadcast_in_dim3A_68, %get3A_62], %gather3A_69 {add = true} : memref<4x10000xf32, #tpu.memory_space<vmem>>[vector<16xi32>, vector<16xi32>], vector<16xf32>,
        %broadcast_in_dim3A_70 = arith.constant 3 : i32
        %broadcast_in_dim3A_71 = vector.broadcast %broadcast_in_dim3A_70 : i32 to vector<16xi32>
        %gather3A_72 = tpu.vector_load_idx %arg7[%broadcast_in_dim3A_71, %get3A_58] : memref<4x10000xf32, #tpu.memory_space<vmem>>[vector<16xi32>, vector<16xi32>], vector<16xf32>,
        tpu.vector_store_idx %arg8[%broadcast_in_dim3A_71, %get3A_62], %gather3A_72 {add = true} : memref<4x10000xf32, #tpu.memory_space<vmem>>[vector<16xi32>, vector<16xi32>], vector<16xf32>,
        %scan3A_73 = arith.constant 0 : i32
        scf.yield %scan3A_73 : i32
      }
      %scan3A_52 = arith.constant 125 : i32
      %scan3A_53 = arith.constant 0 : i32
      scf.yield %scan3A_53 : i32
    }
    %scan3A_40 = arith.constant 40 : i32
    "tpu.region"() ({
      %run_scoped3A = tpu.sem_alloc : memref<!tpu.dma_semaphore, #tpu.memory_space<semaphore_mem>>
      %dma_start3A = arith.constant 0 : i32
      %dma_start3A_41 = tpu.memref_slice %arg6[%select_n3A_30, %mul3A_32, %dma_start3A] : memref<4x32x10000xf32, #tpu.memory_space<hbm>> -> memref<1x4x10000xf32, #tpu.memory_space<hbm>>
      %dma_start3A_42 = tpu.memref_squeeze %dma_start3A_41 : memref<1x4x10000xf32, #tpu.memory_space<hbm>> -> memref<4x10000xf32, #tpu.memory_space<hbm>>
      %dma_start3A_43 = arith.constant 0 : i32
      %dma_start3A_44 = tpu.memref_slice %arg6[%select_n3A_30, %mul3A_32, %dma_start3A_43] : memref<4x32x10000xf32, #tpu.memory_space<hbm>> -> memref<1x4x10000xf32, #tpu.memory_space<hbm>>
      %dma_start3A_45 = tpu.memref_squeeze %dma_start3A_44 : memref<1x4x10000xf32, #tpu.memory_space<hbm>> -> memref<4x10000xf32, #tpu.memory_space<hbm>>
      tpu.enqueue_dma source(%arg8 : memref<4x10000xf32, #tpu.memory_space<vmem>>) target(%dma_start3A_45 : memref<4x10000xf32, #tpu.memory_space<hbm>>) target_semaphore(%run_scoped3A : memref<!tpu.dma_semaphore, #tpu.memory_space<semaphore_mem>>)
      %dma_wait3A = arith.constant 0 : i32
      %dma_wait3A_46 = tpu.memref_slice %arg6[%select_n3A_30, %mul3A_32, %dma_wait3A] : memref<4x32x10000xf32, #tpu.memory_space<hbm>> -> memref<1x4x10000xf32, #tpu.memory_space<hbm>>
      %dma_wait3A_47 = tpu.memref_squeeze %dma_wait3A_46 : memref<1x4x10000xf32, #tpu.memory_space<hbm>> -> memref<4x10000xf32, #tpu.memory_space<hbm>>
      %dma_wait3A_48 = arith.constant 0 : i32
      %dma_wait3A_49 = tpu.memref_slice %arg6[%select_n3A_30, %mul3A_32, %dma_wait3A_48] : memref<4x32x10000xf32, #tpu.memory_space<hbm>> -> memref<1x4x10000xf32, #tpu.memory_space<hbm>>
      %dma_wait3A_50 = tpu.memref_squeeze %dma_wait3A_49 : memref<1x4x10000xf32, #tpu.memory_space<hbm>> -> memref<4x10000xf32, #tpu.memory_space<hbm>>
      tpu.wait_dma2 semaphore(%run_scoped3A : memref<!tpu.dma_semaphore, #tpu.memory_space<semaphore_mem>>) src(%arg8 : memref<4x10000xf32, #tpu.memory_space<vmem>>) dst(%dma_wait3A_50 : memref<4x10000xf32, #tpu.memory_space<hbm>>)
      tpu.yield
    }) : () -> ()
    return
  }
}

#map = affine_map<(d0, d1) -> (0, 0)>
#map1 = affine_map<(d0, d1) -> (0)>
#map2 = affine_map<(d0, d1) -> (0, 0, 0)>
module attributes {stable_mosaic.version = 14 : i64} {
  func.func @_seg_body(%arg0: i32, %arg1: i32, %arg2: memref<64x10000xf32, #tpu.memory_space<hbm>>, %arg3: memref<320000xi32, #tpu.memory_space<hbm>>, %arg4: memref<320000xi32, #tpu.memory_space<hbm>>, %arg5: memref<4x10000xf32, #tpu.memory_space<hbm>>, %arg6: memref<4x32x10000xf32, #tpu.memory_space<hbm>>, %arg7: memref<32x10000xf32, #tpu.memory_space<hbm>>, %arg8: memref<4x10000xf32, #tpu.memory_space<vmem>>, %arg9: memref<4x10000xf32, #tpu.memory_space<vmem>>, %arg10: memref<2000xi32, #tpu.memory_space<vmem>>, %arg11: memref<2000xi32, #tpu.memory_space<vmem>>, %arg12: memref<10000xf32, #tpu.memory_space<vmem>>) attributes {dimension_semantics = [#tpu.dimension_semantics<core_parallel>, #tpu.dimension_semantics<subcore_parallel>], iteration_bounds = array<i64: 2, 16>, scalar_prefetch = 0 : i64, scratch_operands = 5 : i64, tpu.core_type = #tpu.core_type<sc_vector_subcore>, window_params = [{transform_indices = #map}, {transform_indices = #map1}, {transform_indices = #map1}, {transform_indices = #map}, {transform_indices = #map2}, {transform_indices = #map}]} {
    %mul3A = arith.constant 2 : i32
    %mul3A_0 = arith.muli %arg1, %mul3A : i32
    %add3A = arith.addi %mul3A_0, %arg0 : i32
    %jit3A = arith.constant 8 : i32
    %eq3A = arith.constant 0 : i32
    %eq3A_1 = arith.cmpi eq, %jit3A, %eq3A : i32
    %jit3A_2 = arith.constant 1 : i32
    %select_n3A = arith.select %eq3A_1, %jit3A_2, %jit3A : i32
    %rem3A = arith.remsi %add3A, %select_n3A : i32
    %ne3A = arith.constant 0 : i32
    %ne3A_3 = arith.cmpi ne, %rem3A, %ne3A : i32
    %lt3A = arith.constant 0 : i32
    %lt3A_4 = arith.cmpi slt, %rem3A, %lt3A : i32
    %lt3A_5 = arith.constant 0 : i32
    %lt3A_6 = arith.cmpi slt, %select_n3A, %lt3A_5 : i32
    %ne3A_7 = arith.xori %lt3A_4, %lt3A_6 : i1
    %and3A = arith.andi %ne3A_7, %ne3A_3 : i1
    %add3A_8 = arith.addi %rem3A, %select_n3A : i32
    %select_n3A_9 = arith.select %and3A, %add3A_8, %rem3A : i32
    %jit3A_10 = arith.constant 8 : i32
    %div3A = arith.divsi %add3A, %jit3A_10 : i32
    %sign3A = arith.constant 0 : i32
    %sign3A_11 = arith.cmpi sgt, %add3A, %sign3A : i32
    %sign3A_12 = arith.extui %sign3A_11 : i1 to i32
    %sign3A_13 = arith.constant 0 : i32
    %sign3A_14 = arith.cmpi slt, %add3A, %sign3A_13 : i32
    %sign3A_15 = arith.extui %sign3A_14 : i1 to i32
    %sign3A_16 = arith.subi %sign3A_12, %sign3A_15 : i32
    %sign3A_17 = arith.constant 0 : i32
    %sign3A_18 = arith.cmpi sgt, %jit3A_10, %sign3A_17 : i32
    %sign3A_19 = arith.extui %sign3A_18 : i1 to i32
    %sign3A_20 = arith.constant 0 : i32
    %sign3A_21 = arith.cmpi slt, %jit3A_10, %sign3A_20 : i32
    %sign3A_22 = arith.extui %sign3A_21 : i1 to i32
    %sign3A_23 = arith.subi %sign3A_19, %sign3A_22 : i32
    %ne3A_24 = arith.cmpi ne, %sign3A_16, %sign3A_23 : i32
    %rem3A_25 = arith.remsi %add3A, %jit3A_10 : i32
    %ne3A_26 = arith.constant 0 : i32
    %ne3A_27 = arith.cmpi ne, %rem3A_25, %ne3A_26 : i32
    %and3A_28 = arith.andi %ne3A_24, %ne3A_27 : i1
    %sub3A = arith.constant 1 : i32
    %sub3A_29 = arith.subi %div3A, %sub3A : i32
    %select_n3A_30 = arith.select %and3A_28, %sub3A_29, %div3A : i32
    %mul3A_31 = arith.constant 4 : i32
    %mul3A_32 = arith.muli %select_n3A_9, %mul3A_31 : i32
    "tpu.region"() ({
      %run_scoped3A = tpu.sem_alloc : memref<!tpu.dma_semaphore, #tpu.memory_space<semaphore_mem>>
      %dma_start3A = arith.constant 0 : i32
      %dma_start3A_58 = tpu.memref_slice %arg2[%mul3A_32, %dma_start3A] : memref<64x10000xf32, #tpu.memory_space<hbm>> -> memref<4x10000xf32, #tpu.memory_space<hbm>>
      %dma_start3A_59 = arith.constant 0 : i32
      %dma_start3A_60 = tpu.memref_slice %arg2[%mul3A_32, %dma_start3A_59] : memref<64x10000xf32, #tpu.memory_space<hbm>> -> memref<4x10000xf32, #tpu.memory_space<hbm>>
      tpu.enqueue_dma source(%dma_start3A_60 : memref<4x10000xf32, #tpu.memory_space<hbm>>) target(%arg8 : memref<4x10000xf32, #tpu.memory_space<vmem>>) target_semaphore(%run_scoped3A : memref<!tpu.dma_semaphore, #tpu.memory_space<semaphore_mem>>)
      %dma_wait3A = arith.constant 0 : i32
      %dma_wait3A_61 = tpu.memref_slice %arg2[%mul3A_32, %dma_wait3A] : memref<64x10000xf32, #tpu.memory_space<hbm>> -> memref<4x10000xf32, #tpu.memory_space<hbm>>
      %dma_wait3A_62 = arith.constant 0 : i32
      %dma_wait3A_63 = tpu.memref_slice %arg2[%mul3A_32, %dma_wait3A_62] : memref<64x10000xf32, #tpu.memory_space<hbm>> -> memref<4x10000xf32, #tpu.memory_space<hbm>>
      tpu.wait_dma2 semaphore(%run_scoped3A : memref<!tpu.dma_semaphore, #tpu.memory_space<semaphore_mem>>) src(%dma_wait3A_63 : memref<4x10000xf32, #tpu.memory_space<hbm>>) dst(%arg8 : memref<4x10000xf32, #tpu.memory_space<vmem>>)
      tpu.yield
    }) : () -> ()
    "tpu.region"() ({
      %run_scoped3A = tpu.sem_alloc : memref<!tpu.dma_semaphore, #tpu.memory_space<semaphore_mem>>
      tpu.enqueue_dma source(%arg5 : memref<4x10000xf32, #tpu.memory_space<hbm>>) target(%arg9 : memref<4x10000xf32, #tpu.memory_space<vmem>>) target_semaphore(%run_scoped3A : memref<!tpu.dma_semaphore, #tpu.memory_space<semaphore_mem>>)
      tpu.wait_dma2 semaphore(%run_scoped3A : memref<!tpu.dma_semaphore, #tpu.memory_space<semaphore_mem>>) src(%arg5 : memref<4x10000xf32, #tpu.memory_space<hbm>>) dst(%arg9 : memref<4x10000xf32, #tpu.memory_space<vmem>>)
      tpu.yield
    }) : () -> ()
    %mul3A_33 = arith.constant 80000 : i32
    %mul3A_34 = arith.muli %select_n3A_30, %mul3A_33 : i32
    %scan3A = arith.constant 0 : i32
    %scan3A_35 = arith.constant 0 : i32
    %scan3A_36 = arith.constant 40 : i32
    %scan3A_37 = arith.addi %scan3A_35, %scan3A_36 : i32
    %scan3A_38 = arith.constant 1 : i32
    %scan3A_39 = scf.for %scan3A_58 = %scan3A_35 to %scan3A_37 step %scan3A_38 iter_args(%scan3A_59 = %scan3A) -> (i32)  : i32 {
      %mul3A_60 = arith.constant 2000 : i32
      %mul3A_61 = arith.muli %scan3A_58, %mul3A_60 : i32
      %add3A_62 = arith.addi %mul3A_34, %mul3A_61 : i32
      "tpu.region"() ({
        %run_scoped3A = tpu.sem_alloc : memref<!tpu.dma_semaphore, #tpu.memory_space<semaphore_mem>>
        %dma_start3A = tpu.memref_slice %arg3[%add3A_62] : memref<320000xi32, #tpu.memory_space<hbm>> -> memref<2000xi32, #tpu.memory_space<hbm>>
        %dma_start3A_71 = tpu.memref_slice %arg3[%add3A_62] : memref<320000xi32, #tpu.memory_space<hbm>> -> memref<2000xi32, #tpu.memory_space<hbm>>
        tpu.enqueue_dma source(%dma_start3A_71 : memref<2000xi32, #tpu.memory_space<hbm>>) target(%arg10 : memref<2000xi32, #tpu.memory_space<vmem>>) target_semaphore(%run_scoped3A : memref<!tpu.dma_semaphore, #tpu.memory_space<semaphore_mem>>)
        %dma_wait3A = tpu.memref_slice %arg3[%add3A_62] : memref<320000xi32, #tpu.memory_space<hbm>> -> memref<2000xi32, #tpu.memory_space<hbm>>
        %dma_wait3A_72 = tpu.memref_slice %arg3[%add3A_62] : memref<320000xi32, #tpu.memory_space<hbm>> -> memref<2000xi32, #tpu.memory_space<hbm>>
        tpu.wait_dma2 semaphore(%run_scoped3A : memref<!tpu.dma_semaphore, #tpu.memory_space<semaphore_mem>>) src(%dma_wait3A_72 : memref<2000xi32, #tpu.memory_space<hbm>>) dst(%arg10 : memref<2000xi32, #tpu.memory_space<vmem>>)
        tpu.yield
      }) : () -> ()
      "tpu.region"() ({
        %run_scoped3A = tpu.sem_alloc : memref<!tpu.dma_semaphore, #tpu.memory_space<semaphore_mem>>
        %dma_start3A = tpu.memref_slice %arg4[%add3A_62] : memref<320000xi32, #tpu.memory_space<hbm>> -> memref<2000xi32, #tpu.memory_space<hbm>>
        %dma_start3A_71 = tpu.memref_slice %arg4[%add3A_62] : memref<320000xi32, #tpu.memory_space<hbm>> -> memref<2000xi32, #tpu.memory_space<hbm>>
        tpu.enqueue_dma source(%dma_start3A_71 : memref<2000xi32, #tpu.memory_space<hbm>>) target(%arg11 : memref<2000xi32, #tpu.memory_space<vmem>>) target_semaphore(%run_scoped3A : memref<!tpu.dma_semaphore, #tpu.memory_space<semaphore_mem>>)
        %dma_wait3A = tpu.memref_slice %arg4[%add3A_62] : memref<320000xi32, #tpu.memory_space<hbm>> -> memref<2000xi32, #tpu.memory_space<hbm>>
        %dma_wait3A_72 = tpu.memref_slice %arg4[%add3A_62] : memref<320000xi32, #tpu.memory_space<hbm>> -> memref<2000xi32, #tpu.memory_space<hbm>>
        tpu.wait_dma2 semaphore(%run_scoped3A : memref<!tpu.dma_semaphore, #tpu.memory_space<semaphore_mem>>) src(%dma_wait3A_72 : memref<2000xi32, #tpu.memory_space<hbm>>) dst(%arg11 : memref<2000xi32, #tpu.memory_space<vmem>>)
        tpu.yield
      }) : () -> ()
      %scan3A_63 = arith.constant 0 : i32
      %scan3A_64 = arith.constant 0 : i32
      %scan3A_65 = arith.constant 125 : i32
      %scan3A_66 = arith.addi %scan3A_64, %scan3A_65 : i32
      %scan3A_67 = arith.constant 1 : i32
      %scan3A_68 = scf.for %scan3A_71 = %scan3A_64 to %scan3A_66 step %scan3A_67 iter_args(%scan3A_72 = %scan3A_63) -> (i32)  : i32 {
        %mul3A_73 = arith.constant 16 : i32
        %mul3A_74 = arith.muli %scan3A_71, %mul3A_73 : i32
        %get3A = arith.index_cast %mul3A_74 : i32 to index
        %get3A_75 = tpu.vector_load %arg10[%get3A] {strides = array<i32>} : memref<2000xi32, #tpu.memory_space<vmem>>, vector<16xi32>,
        %mul3A_76 = arith.constant 16 : i32
        %mul3A_77 = arith.muli %scan3A_71, %mul3A_76 : i32
        %get3A_78 = arith.index_cast %mul3A_77 : i32 to index
        %get3A_79 = tpu.vector_load %arg11[%get3A_78] {strides = array<i32>} : memref<2000xi32, #tpu.memory_space<vmem>>, vector<16xi32>,
        %broadcast_in_dim3A_80 = arith.constant 0 : i32
        %broadcast_in_dim3A_81 = vector.broadcast %broadcast_in_dim3A_80 : i32 to vector<16xi32>
        %gather3A = tpu.vector_load_idx %arg8[%broadcast_in_dim3A_81, %get3A_75] : memref<4x10000xf32, #tpu.memory_space<vmem>>[vector<16xi32>, vector<16xi32>], vector<16xf32>,
        tpu.vector_store_idx %arg9[%broadcast_in_dim3A_81, %get3A_79], %gather3A {add = true} : memref<4x10000xf32, #tpu.memory_space<vmem>>[vector<16xi32>, vector<16xi32>], vector<16xf32>,
        %broadcast_in_dim3A_82 = arith.constant 1 : i32
        %broadcast_in_dim3A_83 = vector.broadcast %broadcast_in_dim3A_82 : i32 to vector<16xi32>
        %gather3A_84 = tpu.vector_load_idx %arg8[%broadcast_in_dim3A_83, %get3A_75] : memref<4x10000xf32, #tpu.memory_space<vmem>>[vector<16xi32>, vector<16xi32>], vector<16xf32>,
        tpu.vector_store_idx %arg9[%broadcast_in_dim3A_83, %get3A_79], %gather3A_84 {add = true} : memref<4x10000xf32, #tpu.memory_space<vmem>>[vector<16xi32>, vector<16xi32>], vector<16xf32>,
        %broadcast_in_dim3A_85 = arith.constant 2 : i32
        %broadcast_in_dim3A_86 = vector.broadcast %broadcast_in_dim3A_85 : i32 to vector<16xi32>
        %gather3A_87 = tpu.vector_load_idx %arg8[%broadcast_in_dim3A_86, %get3A_75] : memref<4x10000xf32, #tpu.memory_space<vmem>>[vector<16xi32>, vector<16xi32>], vector<16xf32>,
        tpu.vector_store_idx %arg9[%broadcast_in_dim3A_86, %get3A_79], %gather3A_87 {add = true} : memref<4x10000xf32, #tpu.memory_space<vmem>>[vector<16xi32>, vector<16xi32>], vector<16xf32>,
        %broadcast_in_dim3A_88 = arith.constant 3 : i32
        %broadcast_in_dim3A_89 = vector.broadcast %broadcast_in_dim3A_88 : i32 to vector<16xi32>
        %gather3A_90 = tpu.vector_load_idx %arg8[%broadcast_in_dim3A_89, %get3A_75] : memref<4x10000xf32, #tpu.memory_space<vmem>>[vector<16xi32>, vector<16xi32>], vector<16xf32>,
        tpu.vector_store_idx %arg9[%broadcast_in_dim3A_89, %get3A_79], %gather3A_90 {add = true} : memref<4x10000xf32, #tpu.memory_space<vmem>>[vector<16xi32>, vector<16xi32>], vector<16xf32>,
        %scan3A_91 = arith.constant 0 : i32
        scf.yield %scan3A_91 : i32
      }
      %scan3A_69 = arith.constant 125 : i32
      %scan3A_70 = arith.constant 0 : i32
      scf.yield %scan3A_70 : i32
    }
    %scan3A_40 = arith.constant 40 : i32
    "tpu.region"() ({
      %run_scoped3A = tpu.sem_alloc : memref<!tpu.dma_semaphore, #tpu.memory_space<semaphore_mem>>
      %dma_start3A = arith.constant 0 : i32
      %dma_start3A_58 = tpu.memref_slice %arg6[%select_n3A_30, %mul3A_32, %dma_start3A] : memref<4x32x10000xf32, #tpu.memory_space<hbm>> -> memref<1x4x10000xf32, #tpu.memory_space<hbm>>
      %dma_start3A_59 = tpu.memref_squeeze %dma_start3A_58 : memref<1x4x10000xf32, #tpu.memory_space<hbm>> -> memref<4x10000xf32, #tpu.memory_space<hbm>>
      %dma_start3A_60 = arith.constant 0 : i32
      %dma_start3A_61 = tpu.memref_slice %arg6[%select_n3A_30, %mul3A_32, %dma_start3A_60] : memref<4x32x10000xf32, #tpu.memory_space<hbm>> -> memref<1x4x10000xf32, #tpu.memory_space<hbm>>
      %dma_start3A_62 = tpu.memref_squeeze %dma_start3A_61 : memref<1x4x10000xf32, #tpu.memory_space<hbm>> -> memref<4x10000xf32, #tpu.memory_space<hbm>>
      tpu.enqueue_dma source(%arg9 : memref<4x10000xf32, #tpu.memory_space<vmem>>) target(%dma_start3A_62 : memref<4x10000xf32, #tpu.memory_space<hbm>>) target_semaphore(%run_scoped3A : memref<!tpu.dma_semaphore, #tpu.memory_space<semaphore_mem>>)
      %dma_wait3A = arith.constant 0 : i32
      %dma_wait3A_63 = tpu.memref_slice %arg6[%select_n3A_30, %mul3A_32, %dma_wait3A] : memref<4x32x10000xf32, #tpu.memory_space<hbm>> -> memref<1x4x10000xf32, #tpu.memory_space<hbm>>
      %dma_wait3A_64 = tpu.memref_squeeze %dma_wait3A_63 : memref<1x4x10000xf32, #tpu.memory_space<hbm>> -> memref<4x10000xf32, #tpu.memory_space<hbm>>
      %dma_wait3A_65 = arith.constant 0 : i32
      %dma_wait3A_66 = tpu.memref_slice %arg6[%select_n3A_30, %mul3A_32, %dma_wait3A_65] : memref<4x32x10000xf32, #tpu.memory_space<hbm>> -> memref<1x4x10000xf32, #tpu.memory_space<hbm>>
      %dma_wait3A_67 = tpu.memref_squeeze %dma_wait3A_66 : memref<1x4x10000xf32, #tpu.memory_space<hbm>> -> memref<4x10000xf32, #tpu.memory_space<hbm>>
      tpu.wait_dma2 semaphore(%run_scoped3A : memref<!tpu.dma_semaphore, #tpu.memory_space<semaphore_mem>>) src(%arg9 : memref<4x10000xf32, #tpu.memory_space<vmem>>) dst(%dma_wait3A_67 : memref<4x10000xf32, #tpu.memory_space<hbm>>)
      tpu.yield
    }) : () -> ()
    %scan3A_41 = arith.constant 0 : i32
    %scan3A_42 = arith.constant 0 : i32
    %scan3A_43 = arith.constant 625 : i32
    %scan3A_44 = arith.addi %scan3A_42, %scan3A_43 : i32
    %scan3A_45 = arith.constant 1 : i32
    %scan3A_46 = scf.for %scan3A_58 = %scan3A_42 to %scan3A_44 step %scan3A_45 iter_args(%scan3A_59 = %scan3A_41) -> (i32)  : i32 {
      %broadcast_in_dim3A_60 = arith.constant 0.000000e+00 : f32
      %broadcast_in_dim3A_61 = vector.broadcast %broadcast_in_dim3A_60 : f32 to vector<16xf32>
      %mul3A_62 = arith.constant 16 : i32
      %mul3A_63 = arith.muli %scan3A_58, %mul3A_62 : i32
      %swap3A = arith.index_cast %mul3A_63 : i32 to index
      %swap3A_64 = tpu.vector_load %arg12[%swap3A] {strides = array<i32>} : memref<10000xf32, #tpu.memory_space<vmem>>, vector<16xf32>,
      tpu.vector_store %arg12[%swap3A], %broadcast_in_dim3A_61 {strides = array<i32>} : memref<10000xf32, #tpu.memory_space<vmem>>, vector<16xf32>,
      %scan3A_65 = arith.constant 0 : i32
      scf.yield %scan3A_65 : i32
    }
    %scan3A_47 = arith.constant 625 : i32
    %broadcast_in_dim3A = arith.constant 1.000000e+00 : f32
    %broadcast_in_dim3A_48 = vector.broadcast %broadcast_in_dim3A : f32 to vector<16xf32>
    %mul3A_49 = arith.constant 10000 : i32
    %mul3A_50 = arith.muli %add3A, %mul3A_49 : i32
    %scan3A_51 = arith.constant 0 : i32
    %scan3A_52 = arith.constant 0 : i32
    %scan3A_53 = arith.constant 5 : i32
    %scan3A_54 = arith.addi %scan3A_52, %scan3A_53 : i32
    %scan3A_55 = arith.constant 1 : i32
    %scan3A_56 = scf.for %scan3A_58 = %scan3A_52 to %scan3A_54 step %scan3A_55 iter_args(%scan3A_59 = %scan3A_51) -> (i32)  : i32 {
      %mul3A_60 = arith.constant 2000 : i32
      %mul3A_61 = arith.muli %scan3A_58, %mul3A_60 : i32
      %add3A_62 = arith.addi %mul3A_50, %mul3A_61 : i32
      "tpu.region"() ({
        %run_scoped3A = tpu.sem_alloc : memref<!tpu.dma_semaphore, #tpu.memory_space<semaphore_mem>>
        %dma_start3A = tpu.memref_slice %arg4[%add3A_62] : memref<320000xi32, #tpu.memory_space<hbm>> -> memref<2000xi32, #tpu.memory_space<hbm>>
        %dma_start3A_71 = tpu.memref_slice %arg4[%add3A_62] : memref<320000xi32, #tpu.memory_space<hbm>> -> memref<2000xi32, #tpu.memory_space<hbm>>
        tpu.enqueue_dma source(%dma_start3A_71 : memref<2000xi32, #tpu.memory_space<hbm>>) target(%arg11 : memref<2000xi32, #tpu.memory_space<vmem>>) target_semaphore(%run_scoped3A : memref<!tpu.dma_semaphore, #tpu.memory_space<semaphore_mem>>)
        %dma_wait3A = tpu.memref_slice %arg4[%add3A_62] : memref<320000xi32, #tpu.memory_space<hbm>> -> memref<2000xi32, #tpu.memory_space<hbm>>
        %dma_wait3A_72 = tpu.memref_slice %arg4[%add3A_62] : memref<320000xi32, #tpu.memory_space<hbm>> -> memref<2000xi32, #tpu.memory_space<hbm>>
        tpu.wait_dma2 semaphore(%run_scoped3A : memref<!tpu.dma_semaphore, #tpu.memory_space<semaphore_mem>>) src(%dma_wait3A_72 : memref<2000xi32, #tpu.memory_space<hbm>>) dst(%arg11 : memref<2000xi32, #tpu.memory_space<vmem>>)
        tpu.yield
      }) : () -> ()
      %scan3A_63 = arith.constant 0 : i32
      %scan3A_64 = arith.constant 0 : i32
      %scan3A_65 = arith.constant 125 : i32
      %scan3A_66 = arith.addi %scan3A_64, %scan3A_65 : i32
      %scan3A_67 = arith.constant 1 : i32
      %scan3A_68 = scf.for %scan3A_71 = %scan3A_64 to %scan3A_66 step %scan3A_67 iter_args(%scan3A_72 = %scan3A_63) -> (i32)  : i32 {
        %mul3A_73 = arith.constant 16 : i32
        %mul3A_74 = arith.muli %scan3A_71, %mul3A_73 : i32
        %get3A = arith.index_cast %mul3A_74 : i32 to index
        %get3A_75 = tpu.vector_load %arg11[%get3A] {strides = array<i32>} : memref<2000xi32, #tpu.memory_space<vmem>>, vector<16xi32>,
        tpu.vector_store_idx %arg12[%get3A_75], %broadcast_in_dim3A_48 {add = true} : memref<10000xf32, #tpu.memory_space<vmem>>[vector<16xi32>], vector<16xf32>,
        %scan3A_76 = arith.constant 0 : i32
        scf.yield %scan3A_76 : i32
      }
      %scan3A_69 = arith.constant 125 : i32
      %scan3A_70 = arith.constant 0 : i32
      scf.yield %scan3A_70 : i32
    }
    %scan3A_57 = arith.constant 5 : i32
    "tpu.region"() ({
      %run_scoped3A = tpu.sem_alloc : memref<!tpu.dma_semaphore, #tpu.memory_space<semaphore_mem>>
      %dma_start3A = arith.constant 0 : i32
      %dma_start3A_58 = tpu.memref_slice %arg7[%add3A, %dma_start3A] : memref<32x10000xf32, #tpu.memory_space<hbm>> -> memref<1x10000xf32, #tpu.memory_space<hbm>>
      %dma_start3A_59 = tpu.memref_squeeze %dma_start3A_58 : memref<1x10000xf32, #tpu.memory_space<hbm>> -> memref<10000xf32, #tpu.memory_space<hbm>>
      %dma_start3A_60 = arith.constant 0 : i32
      %dma_start3A_61 = tpu.memref_slice %arg7[%add3A, %dma_start3A_60] : memref<32x10000xf32, #tpu.memory_space<hbm>> -> memref<1x10000xf32, #tpu.memory_space<hbm>>
      %dma_start3A_62 = tpu.memref_squeeze %dma_start3A_61 : memref<1x10000xf32, #tpu.memory_space<hbm>> -> memref<10000xf32, #tpu.memory_space<hbm>>
      tpu.enqueue_dma source(%arg12 : memref<10000xf32, #tpu.memory_space<vmem>>) target(%dma_start3A_62 : memref<10000xf32, #tpu.memory_space<hbm>>) target_semaphore(%run_scoped3A : memref<!tpu.dma_semaphore, #tpu.memory_space<semaphore_mem>>)
      %dma_wait3A = arith.constant 0 : i32
      %dma_wait3A_63 = tpu.memref_slice %arg7[%add3A, %dma_wait3A] : memref<32x10000xf32, #tpu.memory_space<hbm>> -> memref<1x10000xf32, #tpu.memory_space<hbm>>
      %dma_wait3A_64 = tpu.memref_squeeze %dma_wait3A_63 : memref<1x10000xf32, #tpu.memory_space<hbm>> -> memref<10000xf32, #tpu.memory_space<hbm>>
      %dma_wait3A_65 = arith.constant 0 : i32
      %dma_wait3A_66 = tpu.memref_slice %arg7[%add3A, %dma_wait3A_65] : memref<32x10000xf32, #tpu.memory_space<hbm>> -> memref<1x10000xf32, #tpu.memory_space<hbm>>
      %dma_wait3A_67 = tpu.memref_squeeze %dma_wait3A_66 : memref<1x10000xf32, #tpu.memory_space<hbm>> -> memref<10000xf32, #tpu.memory_space<hbm>>
      tpu.wait_dma2 semaphore(%run_scoped3A : memref<!tpu.dma_semaphore, #tpu.memory_space<semaphore_mem>>) src(%arg12 : memref<10000xf32, #tpu.memory_space<vmem>>) dst(%dma_wait3A_67 : memref<10000xf32, #tpu.memory_space<hbm>>)
      tpu.yield
    }) : () -> ()
    return
  }
}

module attributes {stable_mosaic.version = 14 : i64} {
  func.func @body(%arg0: i32, %arg1: memref<2048x128xf32, #tpu.memory_space<vmem>>, %arg2: memref<64x128xf32, #tpu.memory_space<vmem>>, %arg3: memref<64x2048xf32, #tpu.memory_space<vmem>>) attributes {dimension_semantics = [#tpu.dimension_semantics<arbitrary>], iteration_bounds = array<i64: 5>, scalar_prefetch = 0 : i64, scratch_operands = 0 : i64, tpu.core_type = #tpu.core_type<tc>, window_params = [{transform_indices = @transform_0, window_bounds = array<i64: 2048, 128>}, {pipeline_mode = #tpu.pipeline_mode<synchronous>, transform_indices = @transform_1, window_bounds = array<i64: 64, 128>}, {transform_indices = @transform_2, window_bounds = array<i64: 64, 2048>}]} {
    %get3A = arith.constant 0 : index
    %get3A_0 = arith.constant 0 : index
    %get3A_1 = vector.load %arg2[%get3A, %get3A_0] : memref<64x128xf32, #tpu.memory_space<vmem>>, vector<64x128xf32>
    %get3A_2 = arith.constant 0 : index
    %get3A_3 = arith.constant 0 : index
    %get3A_4 = vector.load %arg1[%get3A_2, %get3A_3] : memref<2048x128xf32, #tpu.memory_space<vmem>>, vector<2048x128xf32>
    %dot_general3A = arith.constant dense<0.000000e+00> : vector<64x2048xf32>
    %dot_general3A_5 = tpu.matmul %get3A_1, %get3A_4, %dot_general3A {dimension_numbers = #tpu.dot_dimension_numbers<[1], [1], [0], [0], [0, 0, 1, 0], [], []>, transpose_lhs_hint = false} : vector<64x128xf32>, vector<2048x128xf32>, vector<64x2048xf32> -> vector<64x2048xf32>
    %swap3A = arith.constant 0 : index
    %swap3A_6 = arith.constant 0 : index
    %swap3A_7 = vector.load %arg3[%swap3A, %swap3A_6] : memref<64x2048xf32, #tpu.memory_space<vmem>>, vector<64x2048xf32>
    tpu.vector_store %arg3[%swap3A, %swap3A_6], %dot_general3A_5 {strides = array<i32>} : memref<64x2048xf32, #tpu.memory_space<vmem>>, vector<64x2048xf32>,
    return
  }
  func.func @transform_0(%arg0: i32) -> (i32, i32) {
    %c0_i32 = arith.constant 0 : i32
    %c0_i32_0 = arith.constant 0 : i32
    return %arg0, %c0_i32 : i32, i32
  }
  func.func @transform_1(%arg0: i32) -> (i32, i32) {
    %c0_i32 = arith.constant 0 : i32
    %c0_i32_0 = arith.constant 0 : i32
    %c0_i32_1 = arith.constant 0 : i32
    return %c0_i32, %c0_i32_0 : i32, i32
  }
  func.func @transform_2(%arg0: i32) -> (i32, i32) {
    %c0_i32 = arith.constant 0 : i32
    %c0_i32_0 = arith.constant 0 : i32
    return %c0_i32, %arg0 : i32, i32
  }
}

module attributes {stable_mosaic.version = 14 : i64} {
  func.func @body(%arg0: i32, %arg1: memref<4x32x2048xf32, #tpu.memory_space<vmem>>, %arg2: memref<32x2048xf32, #tpu.memory_space<vmem>>, %arg3: memref<64x2048xf32, #tpu.memory_space<vmem>>, %arg4: memref<32x1xf32, #tpu.memory_space<vmem>>, %arg5: memref<64x32xf32, #tpu.memory_space<vmem>>, %arg6: memref<64x2048xf32, #tpu.memory_space<vmem>>) attributes {dimension_semantics = [#tpu.dimension_semantics<arbitrary>], iteration_bounds = array<i64: 5>, scalar_prefetch = 0 : i64, scratch_operands = 0 : i64, tpu.core_type = #tpu.core_type<tc>, window_params = [{transform_indices = @transform_0, window_bounds = array<i64: 4, 32, 2048>}, {transform_indices = @transform_1, window_bounds = array<i64: 32, 2048>}, {transform_indices = @transform_2, window_bounds = array<i64: 64, 2048>}, {pipeline_mode = #tpu.pipeline_mode<synchronous>, transform_indices = @transform_3, window_bounds = array<i64: 32, 1>}, {pipeline_mode = #tpu.pipeline_mode<synchronous>, transform_indices = @transform_4, window_bounds = array<i64: 64, 32>}, {transform_indices = @transform_5, window_bounds = array<i64: 64, 2048>}]} {
    %get3A = arith.constant 0 : index
    %get3A_0 = arith.constant 0 : index
    %get3A_1 = arith.constant 0 : index
    %get3A_2 = vector.load %arg1[%get3A, %get3A_0, %get3A_1] : memref<4x32x2048xf32, #tpu.memory_space<vmem>>, vector<4x32x2048xf32>
    %reduce_sum3A = arith.constant dense<0.000000e+00> : vector<32x2048xf32>
    %reduce_sum3A_3 = vector.multi_reduction <add>, %get3A_2, %reduce_sum3A [0] : vector<4x32x2048xf32> to vector<32x2048xf32>
    %broadcast_in_dim3A = arith.constant 1.000000e+00 : f32
    %broadcast_in_dim3A_4 = vector.broadcast %broadcast_in_dim3A : f32 to vector<1x32xf32>
    %get3A_5 = arith.constant 0 : index
    %get3A_6 = arith.constant 0 : index
    %get3A_7 = vector.load %arg2[%get3A_5, %get3A_6] : memref<32x2048xf32, #tpu.memory_space<vmem>>, vector<32x2048xf32>
    %dot_general3A = arith.constant dense<0.000000e+00> : vector<1x2048xf32>
    %dot_general3A_8 = tpu.matmul %broadcast_in_dim3A_4, %get3A_7, %dot_general3A {dimension_numbers = #tpu.dot_dimension_numbers<[1], [0], [0], [1], [0, 0, 1, 1], [], []>, transpose_lhs_hint = false} : vector<1x32xf32>, vector<32x2048xf32>, vector<1x2048xf32> -> vector<1x2048xf32>
    %max3A = arith.constant 1.000000e+00 : f32
    %max3A_9 = vector.broadcast %max3A : f32 to vector<1x2048xf32>
    %max3A_10 = arith.maximumf %dot_general3A_8, %max3A_9 : vector<1x2048xf32>
    %div3A = vector.broadcast %max3A_10 : vector<1x2048xf32> to vector<32x2048xf32>
    %div3A_11 = arith.divf %reduce_sum3A_3, %div3A : vector<32x2048xf32>
    %get3A_12 = arith.constant 0 : index
    %get3A_13 = arith.constant 0 : index
    %get3A_14 = vector.load %arg4[%get3A_12, %get3A_13] : memref<32x1xf32, #tpu.memory_space<vmem>>, vector<32x1xf32>
    %add3A = vector.broadcast %get3A_14 : vector<32x1xf32> to vector<32x2048xf32>
    %add3A_15 = arith.addf %div3A_11, %add3A : vector<32x2048xf32>
    %get3A_16 = arith.constant 0 : index
    %get3A_17 = arith.constant 0 : index
    %get3A_18 = vector.load %arg3[%get3A_16, %get3A_17] : memref<64x2048xf32, #tpu.memory_space<vmem>>, vector<64x2048xf32>
    %slice3A = vector.extract_strided_slice %get3A_18 {offsets = [32, 0], sizes = [32, 2048], strides = [1, 1]} : vector<64x2048xf32> to vector<32x2048xf32>
    %add3A_19 = arith.addf %add3A_15, %slice3A : vector<32x2048xf32>
    %mul3A = arith.mulf %add3A_19, %add3A_19 : vector<32x2048xf32>
    %reduce_sum3A_20 = arith.constant dense<0.000000e+00> : vector<2048xf32>
    %reduce_sum3A_21 = vector.multi_reduction <add>, %mul3A, %reduce_sum3A_20 [0] : vector<32x2048xf32> to vector<2048xf32>
    %broadcast_in_dim3A_22 = vector.shape_cast %reduce_sum3A_21 : vector<2048xf32> to vector<1x2048xf32>
    %sqrt3A = math.sqrt %broadcast_in_dim3A_22 : vector<1x2048xf32>
    %max3A_23 = arith.constant 9.99999996E-13 : f32
    %max3A_24 = vector.broadcast %max3A_23 : f32 to vector<1x2048xf32>
    %max3A_25 = arith.maximumf %sqrt3A, %max3A_24 : vector<1x2048xf32>
    %div3A_26 = vector.broadcast %max3A_25 : vector<1x2048xf32> to vector<32x2048xf32>
    %div3A_27 = arith.divf %add3A_19, %div3A_26 : vector<32x2048xf32>
    %tanh3A = math.tanh %div3A_27 : vector<32x2048xf32>
    %get3A_28 = arith.constant 0 : index
    %get3A_29 = arith.constant 0 : index
    %get3A_30 = vector.load %arg5[%get3A_28, %get3A_29] : memref<64x32xf32, #tpu.memory_space<vmem>>, vector<64x32xf32>
    %dot_general3A_31 = arith.constant dense<0.000000e+00> : vector<64x2048xf32>
    %dot_general3A_32 = tpu.matmul %get3A_30, %tanh3A, %dot_general3A_31 {dimension_numbers = #tpu.dot_dimension_numbers<[1], [0], [0], [1], [0, 0, 1, 1], [], []>, transpose_lhs_hint = false} : vector<64x32xf32>, vector<32x2048xf32>, vector<64x2048xf32> -> vector<64x2048xf32>
    %swap3A = arith.constant 0 : index
    %swap3A_33 = arith.constant 0 : index
    %swap3A_34 = vector.load %arg6[%swap3A, %swap3A_33] : memref<64x2048xf32, #tpu.memory_space<vmem>>, vector<64x2048xf32>
    tpu.vector_store %arg6[%swap3A, %swap3A_33], %dot_general3A_32 {strides = array<i32>} : memref<64x2048xf32, #tpu.memory_space<vmem>>, vector<64x2048xf32>,
    return
  }
  func.func @transform_0(%arg0: i32) -> (i32, i32, i32) {
    %c0_i32 = arith.constant 0 : i32
    %c0_i32_0 = arith.constant 0 : i32
    %c0_i32_1 = arith.constant 0 : i32
    return %c0_i32, %c0_i32_0, %arg0 : i32, i32, i32
  }
  func.func @transform_1(%arg0: i32) -> (i32, i32) {
    %c0_i32 = arith.constant 0 : i32
    %c0_i32_0 = arith.constant 0 : i32
    return %c0_i32, %arg0 : i32, i32
  }
  func.func @transform_2(%arg0: i32) -> (i32, i32) {
    %c0_i32 = arith.constant 0 : i32
    %c0_i32_0 = arith.constant 0 : i32
    return %c0_i32, %arg0 : i32, i32
  }
  func.func @transform_3(%arg0: i32) -> (i32, i32) {
    %c0_i32 = arith.constant 0 : i32
    %c0_i32_0 = arith.constant 0 : i32
    %c0_i32_1 = arith.constant 0 : i32
    return %c0_i32, %c0_i32_0 : i32, i32
  }
  func.func @transform_4(%arg0: i32) -> (i32, i32) {
    %c0_i32 = arith.constant 0 : i32
    %c0_i32_0 = arith.constant 0 : i32
    %c0_i32_1 = arith.constant 0 : i32
    return %c0_i32, %c0_i32_0 : i32, i32
  }
  func.func @transform_5(%arg0: i32) -> (i32, i32) {
    %c0_i32 = arith.constant 0 : i32
    %c0_i32_0 = arith.constant 0 : i32
    return %c0_i32, %arg0 : i32, i32
  }
}

module attributes {stable_mosaic.version = 14 : i64} {
  func.func @body(%arg0: i32, %arg1: memref<4x32x2048xf32, #tpu.memory_space<vmem>>, %arg2: memref<32x2048xf32, #tpu.memory_space<vmem>>, %arg3: memref<64x2048xf32, #tpu.memory_space<vmem>>, %arg4: memref<32x1xf32, #tpu.memory_space<vmem>>, %arg5: memref<20x32xf32, #tpu.memory_space<vmem>>, %arg6: memref<20x1xf32, #tpu.memory_space<vmem>>, %arg7: memref<20x2048xf32, #tpu.memory_space<vmem>>, %arg8: memref<32x2048xf32, #tpu.memory_space<vmem>>) attributes {dimension_semantics = [#tpu.dimension_semantics<arbitrary>], iteration_bounds = array<i64: 5>, scalar_prefetch = 0 : i64, scratch_operands = 0 : i64, tpu.core_type = #tpu.core_type<tc>, window_params = [{transform_indices = @transform_0, window_bounds = array<i64: 4, 32, 2048>}, {transform_indices = @transform_1, window_bounds = array<i64: 32, 2048>}, {transform_indices = @transform_2, window_bounds = array<i64: 64, 2048>}, {pipeline_mode = #tpu.pipeline_mode<synchronous>, transform_indices = @transform_3, window_bounds = array<i64: 32, 1>}, {pipeline_mode = #tpu.pipeline_mode<synchronous>, transform_indices = @transform_4, window_bounds = array<i64: 20, 32>}, {pipeline_mode = #tpu.pipeline_mode<synchronous>, transform_indices = @transform_5, window_bounds = array<i64: 20, 1>}, {transform_indices = @transform_6, window_bounds = array<i64: 20, 2048>}, {transform_indices = @transform_7, window_bounds = array<i64: 32, 2048>}]} {
    %get3A = arith.constant 0 : index
    %get3A_0 = arith.constant 0 : index
    %get3A_1 = arith.constant 0 : index
    %get3A_2 = vector.load %arg1[%get3A, %get3A_0, %get3A_1] : memref<4x32x2048xf32, #tpu.memory_space<vmem>>, vector<4x32x2048xf32>
    %reduce_sum3A = arith.constant dense<0.000000e+00> : vector<32x2048xf32>
    %reduce_sum3A_3 = vector.multi_reduction <add>, %get3A_2, %reduce_sum3A [0] : vector<4x32x2048xf32> to vector<32x2048xf32>
    %broadcast_in_dim3A = arith.constant 1.000000e+00 : f32
    %broadcast_in_dim3A_4 = vector.broadcast %broadcast_in_dim3A : f32 to vector<1x32xf32>
    %get3A_5 = arith.constant 0 : index
    %get3A_6 = arith.constant 0 : index
    %get3A_7 = vector.load %arg2[%get3A_5, %get3A_6] : memref<32x2048xf32, #tpu.memory_space<vmem>>, vector<32x2048xf32>
    %dot_general3A = arith.constant dense<0.000000e+00> : vector<1x2048xf32>
    %dot_general3A_8 = tpu.matmul %broadcast_in_dim3A_4, %get3A_7, %dot_general3A {dimension_numbers = #tpu.dot_dimension_numbers<[1], [0], [0], [1], [0, 0, 1, 1], [], []>, transpose_lhs_hint = false} : vector<1x32xf32>, vector<32x2048xf32>, vector<1x2048xf32> -> vector<1x2048xf32>
    %max3A = arith.constant 1.000000e+00 : f32
    %max3A_9 = vector.broadcast %max3A : f32 to vector<1x2048xf32>
    %max3A_10 = arith.maximumf %dot_general3A_8, %max3A_9 : vector<1x2048xf32>
    %div3A = vector.broadcast %max3A_10 : vector<1x2048xf32> to vector<32x2048xf32>
    %div3A_11 = arith.divf %reduce_sum3A_3, %div3A : vector<32x2048xf32>
    %get3A_12 = arith.constant 0 : index
    %get3A_13 = arith.constant 0 : index
    %get3A_14 = vector.load %arg4[%get3A_12, %get3A_13] : memref<32x1xf32, #tpu.memory_space<vmem>>, vector<32x1xf32>
    %add3A = vector.broadcast %get3A_14 : vector<32x1xf32> to vector<32x2048xf32>
    %add3A_15 = arith.addf %div3A_11, %add3A : vector<32x2048xf32>
    %get3A_16 = arith.constant 0 : index
    %get3A_17 = arith.constant 0 : index
    %get3A_18 = vector.load %arg3[%get3A_16, %get3A_17] : memref<64x2048xf32, #tpu.memory_space<vmem>>, vector<64x2048xf32>
    %slice3A = vector.extract_strided_slice %get3A_18 {offsets = [32, 0], sizes = [32, 2048], strides = [1, 1]} : vector<64x2048xf32> to vector<32x2048xf32>
    %add3A_19 = arith.addf %add3A_15, %slice3A : vector<32x2048xf32>
    %mul3A = arith.mulf %add3A_19, %add3A_19 : vector<32x2048xf32>
    %reduce_sum3A_20 = arith.constant dense<0.000000e+00> : vector<2048xf32>
    %reduce_sum3A_21 = vector.multi_reduction <add>, %mul3A, %reduce_sum3A_20 [0] : vector<32x2048xf32> to vector<2048xf32>
    %broadcast_in_dim3A_22 = vector.shape_cast %reduce_sum3A_21 : vector<2048xf32> to vector<1x2048xf32>
    %sqrt3A = math.sqrt %broadcast_in_dim3A_22 : vector<1x2048xf32>
    %max3A_23 = arith.constant 9.99999996E-13 : f32
    %max3A_24 = vector.broadcast %max3A_23 : f32 to vector<1x2048xf32>
    %max3A_25 = arith.maximumf %sqrt3A, %max3A_24 : vector<1x2048xf32>
    %div3A_26 = vector.broadcast %max3A_25 : vector<1x2048xf32> to vector<32x2048xf32>
    %div3A_27 = arith.divf %add3A_19, %div3A_26 : vector<32x2048xf32>
    %tanh3A = math.tanh %div3A_27 : vector<32x2048xf32>
    %swap3A = arith.constant 0 : index
    %swap3A_28 = arith.constant 0 : index
    %swap3A_29 = vector.load %arg8[%swap3A, %swap3A_28] : memref<32x2048xf32, #tpu.memory_space<vmem>>, vector<32x2048xf32>
    tpu.vector_store %arg8[%swap3A, %swap3A_28], %tanh3A {strides = array<i32>} : memref<32x2048xf32, #tpu.memory_space<vmem>>, vector<32x2048xf32>,
    %get3A_30 = arith.constant 0 : index
    %get3A_31 = arith.constant 0 : index
    %get3A_32 = vector.load %arg5[%get3A_30, %get3A_31] : memref<20x32xf32, #tpu.memory_space<vmem>>, vector<20x32xf32>
    %dot_general3A_33 = arith.constant dense<0.000000e+00> : vector<20x2048xf32>
    %dot_general3A_34 = tpu.matmul %get3A_32, %tanh3A, %dot_general3A_33 {dimension_numbers = #tpu.dot_dimension_numbers<[1], [0], [0], [1], [0, 0, 1, 1], [], []>, transpose_lhs_hint = false} : vector<20x32xf32>, vector<32x2048xf32>, vector<20x2048xf32> -> vector<20x2048xf32>
    %get3A_35 = arith.constant 0 : index
    %get3A_36 = arith.constant 0 : index
    %get3A_37 = vector.load %arg6[%get3A_35, %get3A_36] : memref<20x1xf32, #tpu.memory_space<vmem>>, vector<20x1xf32>
    %add3A_38 = vector.broadcast %get3A_37 : vector<20x1xf32> to vector<20x2048xf32>
    %add3A_39 = arith.addf %dot_general3A_34, %add3A_38 : vector<20x2048xf32>
    %reduce_max3A = arith.constant dense<0xFF800000> : vector<2048xf32>
    %reduce_max3A_40 = vector.multi_reduction <maximumf>, %add3A_39, %reduce_max3A [0] : vector<20x2048xf32> to vector<2048xf32>
    %broadcast_in_dim3A_41 = vector.shape_cast %reduce_max3A_40 : vector<2048xf32> to vector<1x2048xf32>
    %sub3A = vector.broadcast %broadcast_in_dim3A_41 : vector<1x2048xf32> to vector<20x2048xf32>
    %sub3A_42 = arith.subf %add3A_39, %sub3A : vector<20x2048xf32>
    %exp3A = math.exp %sub3A_42 : vector<20x2048xf32>
    %reduce_sum3A_43 = arith.constant dense<0.000000e+00> : vector<2048xf32>
    %reduce_sum3A_44 = vector.multi_reduction <add>, %exp3A, %reduce_sum3A_43 [0] : vector<20x2048xf32> to vector<2048xf32>
    %broadcast_in_dim3A_45 = vector.shape_cast %reduce_sum3A_44 : vector<2048xf32> to vector<1x2048xf32>
    %log3A = math.log %broadcast_in_dim3A_45 : vector<1x2048xf32>
    %add3A_46 = arith.addf %log3A, %broadcast_in_dim3A_41 : vector<1x2048xf32>
    %sub3A_47 = vector.broadcast %add3A_46 : vector<1x2048xf32> to vector<20x2048xf32>
    %sub3A_48 = arith.subf %add3A_39, %sub3A_47 : vector<20x2048xf32>
    %swap3A_49 = arith.constant 0 : index
    %swap3A_50 = arith.constant 0 : index
    %swap3A_51 = vector.load %arg7[%swap3A_49, %swap3A_50] : memref<20x2048xf32, #tpu.memory_space<vmem>>, vector<20x2048xf32>
    tpu.vector_store %arg7[%swap3A_49, %swap3A_50], %sub3A_48 {strides = array<i32>} : memref<20x2048xf32, #tpu.memory_space<vmem>>, vector<20x2048xf32>,
    return
  }
  func.func @transform_0(%arg0: i32) -> (i32, i32, i32) {
    %c0_i32 = arith.constant 0 : i32
    %c0_i32_0 = arith.constant 0 : i32
    %c0_i32_1 = arith.constant 0 : i32
    return %c0_i32, %c0_i32_0, %arg0 : i32, i32, i32
  }
  func.func @transform_1(%arg0: i32) -> (i32, i32) {
    %c0_i32 = arith.constant 0 : i32
    %c0_i32_0 = arith.constant 0 : i32
    return %c0_i32, %arg0 : i32, i32
  }
  func.func @transform_2(%arg0: i32) -> (i32, i32) {
    %c0_i32 = arith.constant 0 : i32
    %c0_i32_0 = arith.constant 0 : i32
    return %c0_i32, %arg0 : i32, i32
  }
  func.func @transform_3(%arg0: i32) -> (i32, i32) {
    %c0_i32 = arith.constant 0 : i32
    %c0_i32_0 = arith.constant 0 : i32
    %c0_i32_1 = arith.constant 0 : i32
    return %c0_i32, %c0_i32_0 : i32, i32
  }
  func.func @transform_4(%arg0: i32) -> (i32, i32) {
    %c0_i32 = arith.constant 0 : i32
    %c0_i32_0 = arith.constant 0 : i32
    %c0_i32_1 = arith.constant 0 : i32
    return %c0_i32, %c0_i32_0 : i32, i32
  }
  func.func @transform_5(%arg0: i32) -> (i32, i32) {
    %c0_i32 = arith.constant 0 : i32
    %c0_i32_0 = arith.constant 0 : i32
    %c0_i32_1 = arith.constant 0 : i32
    return %c0_i32, %c0_i32_0 : i32, i32
  }
  func.func @transform_6(%arg0: i32) -> (i32, i32) {
    %c0_i32 = arith.constant 0 : i32
    %c0_i32_0 = arith.constant 0 : i32
    return %c0_i32, %arg0 : i32, i32
  }
  func.func @transform_7(%arg0: i32) -> (i32, i32) {
    %c0_i32 = arith.constant 0 : i32
    %c0_i32_0 = arith.constant 0 : i32
    return %c0_i32, %arg0 : i32, i32
  }
}

</mosaic_0001>

<sc_bundles>
// kernel: kernel.10.cloned.1.call-start
scs
__scs_entry_jumppad:
0x0: {  	(pc) =	sbr.rel $0x88, $3  }
0x1: {  	(tag) =	ssettag $0x0;
	lr =	simm.s32 $0x1  }
0x2: {  	[smem:$0x3F97] =	sst lr;
	_ =	strace $0xD0000000  }
0x3: {  	_ = 	snop  }
0x4: {  	_ = 	snop  }
0x5: {  	_ = 	snop  }
0x6: {  	_ = 	snop  }
0x7: {  	_ = 	snop  }
__scs_overlays_trampoline_lowered:
0x8: {  	[smem:$0x3FA6] =	sst s0  }
0x9: {  	[smem:$0x3FA7] =	sst s1  }
0xa: {  	[smem:$0x3FA8] =	sst s2  }
0xb: {  	[smem:$0x3FA9] =	sst s3  }
0xc: {  	[smem:$0x3FAA] =	sst s4  }
0xd: {  	[smem:$0x3FAB] =	sst s5  }
0xe: {  	[smem:$0x3FAC] =	sst s6  }
0xf: {  	[smem:$0x3FAD] =	sst s7  }
0x10: {  	[smem:$0x3FAE] =	sst s8  }
0x11: {  	[smem:$0x3FAF] =	sst s9;
	s0 =	simm.s32 @!p0 $0x0  }
0x12: {  	s1 =	sld [smem:$0x3F95];
	s0 =	simm.s32 @p0 $0x1  }
0x13: {  	[smem:$0x3FB0] =	sst s0;
	s0 =	simm.s32 @!p1 $0x0  }
0x14: {  	s2 =	sld [smem:$0x3F94];
	s0 =	simm.s32 @p1 $0x1  }
0x15: {  	[smem:$0x3FB1] =	sst s0;
	s0 =	simm.s32 @!p2 $0x0  }
0x16: {  	s3 =	sld [smem:$0x3FDB];
	s0 =	simm.s32 @p2 $0x1  }
0x17: {  	s4 =	simm.s32 $0x1BF5;
	[smem:$0x3FB3] =	sst s0  }
0x18: {  	s0 =	sld [smem:$0x3F96];
	_ =	swait.ge [sflag:s4], $0x0  }
0x19: {  	s7 =	sld [smem:$0x3F97]  }
0x1a: {  	s8 =	sadd.s32 $0xFFFFE003, lr  }
0x1b: {  	s9 =	sadd.s32 $0xFFFFFEF7, lr;
	s5 =	simm.s32 $0xFFFFFFFF;
	p2 =	slt.u32 s8, $0xFFFFF086  }
0x1c: {  	p1 =	slt.u32 s9, $0xF7A;
	s5 =	simm.s32 @!p2 $0x0  }
0x1d: {  	s5 =	simm.s32 @p1 $0x1;
	p0 =	seq.s32 s7, s2  }
0x1e: {  	s7 =	smul.u32 @!p0 $0xF7A, s2;
	p2 =	seq.s32 @!p0 s5, $0x0  }
0x1f: {  	s9 =	smul.u32 $0xF7A, s1;
	s8 =	simm.s32 @!p0 $0x1BF5;
	p2 =	por !p2, p0  }
0x20: {  	[sflag:s8] =	ssyncset.s32 @!p0 $0xFFFFF086;
	s6 =	sadd.s32 @!p0 s3, s7;
	s7 =	simm.s32 @!p0 $0x108  }
0x21: {  	s3 =	sadd.s32 s3, s9;
	s6 =	sadd.s32 @!p0 $0x88, s6;
	s7 =	simm.s32 @p2 $0x1082  }
0x22: {  	[simem:s7], [sflag:s8] =	dma.local @!p0 [hbm:s6], $0xF7A  }
0x23: {  	s9 =	sor.u32 $0xD0000000, s2;
	s6 =	simm.s32 $0x108;
	_ =	swait.ge @!p0 [sflag:s8], $0x0  }
0x24: {  	s3 =	sadd.s32 $0x88, s3;
	s6 =	simm.s32 @!p1 $0x1082;
	[sflag:s4] =	ssyncset.s32 $0xFFFFF086  }
0x25: {  	[simem:s6], [sflag:s4] =	dma.local [hbm:s3], $0xF7A  }
0x26: {  	[smem:$0x3F97] =	sst s1;
	(tag) =	ssettag s2;
	_ =	strace s9  }
0x27: {  	s1 =	sld [smem:$0x3FA7]  }
0x28: {  	s2 =	sld [smem:$0x3FA8]  }
0x29: {  	s4 =	sld [smem:$0x3FAA]  }
0x2a: {  	p0 =	seq.s32 s5, $0x0;
	s5 =	sld [smem:$0x3FAB]  }
0x2b: {  	s6 =	sld [smem:$0x3FAC]  }
0x2c: {  	s7 =	sld [smem:$0x3FAD]  }
0x2d: {  	s3 =	simm.s32 $0x108;
	s8 =	sld [smem:$0x3FAE]  }
0x2e: {  	s3 =	simm.s32 @!p0 $0x1082;
	s9 =	sld [smem:$0x3FAF]  }
0x2f: {  	lr =	sadd.s32 s0, s3;
	s0 =	sld [smem:$0x3FA6]  }
0x30: {  	s3 =	sld [smem:$0x3FA9]  }
0x31: {  	[smem:$0x3FB2] =	sst s10  }
0x32: {  	s10 =	sld [smem:$0x3FB0];
	_ =	sdelay $0x3  }
0x33: {  	p0 =	seq.s32 s10, $0x1;
	s10 =	sld [smem:$0x3FB2];
	_ =	sdelay $0x3  }
0x34: {  	[smem:$0x3FB2] =	sst s10  }
0x35: {  	s10 =	sld [smem:$0x3FB1];
	_ =	sdelay $0x3  }
0x36: {  	p1 =	seq.s32 s10, $0x1;
	s10 =	sld [smem:$0x3FB2];
	_ =	sdelay $0x3  }
0x37: {  	[smem:$0x3FB2] =	sst s10  }
0x38: {  	s10 =	sld [smem:$0x3FB3]  }
0x39: {  	_ = 	snop;
	(pc) =	sbr.ind lr, $3  }
0x3a: {  	_ = 	snop  }
0x3b: {  	_ = 	snop  }
0x3c: {  	p2 =	seq.s32 s10, $0x1;
	s10 =	sld [smem:$0x3FB2]  }
0x3d: {  	_ =	shalt  }
0x3e: {  	_ =	shalt  }
0x3f: {  	_ =	shalt  }
0x40: {  	_ =	shalt  }
0x41: {  	_ =	shalt  }
0x42: {  	_ =	shalt  }
0x43: {  	_ =	shalt  }
0x44: {  	_ =	shalt  }
0x45: {  	_ =	shalt  }
0x46: {  	_ =	shalt  }
0x47: {  	_ =	shalt  }
0x48: {  	_ =	shalt  }
0x49: {  	_ =	shalt  }
0x4a: {  	_ =	shalt  }
0x4b: {  	_ =	shalt  }
0x4c: {  	_ =	shalt  }
0x4d: {  	_ =	shalt  }
0x4e: {  	_ =	shalt  }
0x4f: {  	_ =	shalt  }
0x50: {  	_ =	shalt  }
0x51: {  	_ =	shalt  }
0x52: {  	_ =	shalt  }
0x53: {  	_ =	shalt  }
0x54: {  	_ =	shalt  }
0x55: {  	_ =	shalt  }
0x56: {  	_ =	shalt  }
0x57: {  	_ =	shalt  }
0x58: {  	_ =	shalt  }
0x59: {  	_ =	shalt  }
0x5a: {  	_ =	shalt  }
0x5b: {  	_ =	shalt  }
0x5c: {  	_ =	shalt  }
0x5d: {  	_ =	shalt  }
0x5e: {  	_ =	shalt  }
0x5f: {  	_ =	shalt  }
0x60: {  	_ =	shalt  }
0x61: {  	_ =	shalt  }
0x62: {  	_ =	shalt  }
0x63: {  	_ =	shalt  }
0x64: {  	_ =	shalt  }
0x65: {  	_ =	shalt  }
0x66: {  	_ =	shalt  }
0x67: {  	_ =	shalt  }
0x68: {  	_ =	shalt  }
0x69: {  	_ =	shalt  }
0x6a: {  	_ =	shalt  }
0x6b: {  	_ =	shalt  }
0x6c: {  	_ =	shalt  }
0x6d: {  	_ =	shalt  }
0x6e: {  	_ =	shalt  }
0x6f: {  	_ =	shalt  }
0x70: {  	_ =	shalt  }
0x71: {  	_ =	shalt  }
0x72: {  	_ =	shalt  }
0x73: {  	_ =	shalt  }
0x74: {  	_ =	shalt  }
0x75: {  	_ =	shalt  }
0x76: {  	_ =	shalt  }
0x77: {  	_ =	shalt  }
0x78: {  	_ =	shalt  }
0x79: {  	_ =	shalt  }
0x7a: {  	_ =	shalt  }
0x7b: {  	_ =	shalt  }
0x7c: {  	_ =	shalt  }
0x7d: {  	_ =	shalt  }
0x7e: {  	_ =	shalt  }
0x7f: {  	_ =	shalt  }
0x80: {  	_ =	shalt  }
0x81: {  	_ =	shalt  }
0x82: {  	_ =	shalt  }
0x83: {  	_ =	shalt  }
0x84: {  	_ =	shalt  }
0x85: {  	_ =	shalt  }
0x86: {  	_ =	shalt  }
0x87: {  	_ =	shalt  }
.Lfunc_end0:
.L_simem_size_0:
called_computation.1_lowered:
.L_overlay_start_0:
0x88: {  	s2 =	sld [smem:$0x3FD9]  }
0x89: {  	s3 =	sld [smem:$0x3FFE];
	_ =	sdelay $0x1  }
0x8a: {  	s1 =	srdreg.scid  }
0x8b: {  	s0 =	sand.u32 $0x1, s1  }
0x8c: {  	s14 =	sshll.u32 s0, $0xA;
	s2 =	sadd.s32 s3, s2  }
0x8d: {  	s2 =	sadd.s32 s2, s14  }
0x8e: {  	[smem:$0x3FBE] =	sst s2  }
0x8f: {  	_ = 	snop  }
0x90: {  	s2 =	sld [smem:$0x3FD0];
	_ =	sdelay $0x2  }
0x91: {  	s15 =	simm.s32 $0xA;
	s4 =	simm.s32 $0x10  }
0x92: {  	[smem:s4], [sflag:s15] =	dma.local [hbm:s2], $0x1  }
0x93: {  	_ =	swait.eq [sflag:s15], $0x1  }
0x94: {  	[sflag:s15] =	ssyncset.done $0x0  }
0x95: {  	s16 =	sld [smem:$0x10];
	[sflag:s15] =	ssyncadd.s32 $0xFFFFFFFF  }
0x96: {  	s17 =	sld [smem:$0x11];
	(tm) =	ssettm $0x1  }
0x97: {  	s18 =	sld [smem:$0x3FFB];
	_ =	sdelay $0x3  }
0x98: {  	_ =	strace s18  }
0x99: {  	s4 =	sld [smem:$0x3FFC];
	_ =	sdelay $0x3  }
0x9a: {  	_ =	strace s4  }
0x9b: {  	s4 =	sld [smem:$0x3FFD];
	_ =	sdelay $0x3  }
0x9c: {  	_ =	strace s4  }
0x9d: {  	_ =	strace $0x8FFFFFFF  }
0x9e: {  	s19 =	sld [smem:$0x3FDB];
	_ =	sdelay $0x1  }
0x9f: {  	s5 =	simm.s32 $_scs_section_size  }
0xa0: {  	s6 =	simm.s32 $_size__tile_overlayer_lowered;
	s7 =	simm.s32 $_tile_overlayer_lowered  }
0xa1: {  	s22 =	simm.s32 $0x1BFF;
	s21 =	sshll.u32 s7, $0x1;
	s4 =	sadd.s32 s5, s19  }
0xa2: {  	s8 =	simm.s32 $0x0;
	s20 =	sshll.u32 s6, $0x1;
	s6 =	sadd.s32 s21, s4  }
0xa3: {  	[timem:s8], [sflag:s22] =	dma.local [hbm:s6], s20  }
0xa4: {  	_ =	swait.ge [sflag:s22], s20  }
0xa5: {  	s5 =	ssub.s32 $0x0, s20;
	[sflag:s22] =	ssyncset.done $0x0  }
0xa6: {  	[sflag:s22] =	ssyncadd.s32 s5;
	_ =	sdelay $0x1  }
0xa7: {  	s23 =	simm.s32 $0x1B8B  }
0xa8: {  	_ =	swait.ge [sflag:s23], $0x1  }
0xa9: {  	[sflag:s23] =	ssyncset.done $0x0  }
0xaa: {  	s25 =	simm.s32 $0x1B8E;
	s24 =	sld [smem:$0x3FFE];
	[sflag:s23] =	ssyncadd.s32 $0xFFFFFFFF  }
0xab: {  	s26 =	simm.s32 $execute0_lowered;
	[smem:$0x3FD2] =	sst s25  }
0xac: {  	s6 =	sshll.u32 s26, $0x1;
	_ =	strace $0x80000049;
	[dreg:$0x1] =	wrdreg $0xFFFFFFFF  }
0xad: {  	s28 =	simm.s32 $_size_execute0_lowered;
	s4 =	sadd.s32 s4, s6;
	[dreg:$0x0] =	wrdreg $0x0  }
0xae: {  	s6 =	sshll.u32 s28, $0x1;
	[dreg:$0x2] =	wrdreg s4  }
0xaf: {  	[dreg:$0x3] =	wrdreg s6  }
0xb0: {  	[dreg:$0x4] =	wrdreg $0xC0  }
0xb1: {  	_ =	task [dreg:s8], $0x5FFFF  }
0xb2: {  	[dreg:$0x1] =	wrdreg $0xFFFFFFFF  }
0xb3: {  	[dreg:$0x0] =	wrdreg $0x60  }
0xb4: {  	[dreg:$0x2] =	wrdreg s24  }
0xb5: {  	[dreg:$0x3] =	wrdreg s17  }
0xb6: {  	[dreg:$0x4] =	wrdreg s16  }
0xb7: {  	[dreg:$0x5] =	wrdreg $0x9  }
0xb8: {  	_ =	task.clear_ibuf [dreg:s8], $0x6FFFF;
	_ =	strace $0x90000049  }
0xb9: {  	s29 =	simm.s32 $0x9;
	_ =	strace $0x8000004B  }
0xba: {  	_ =	swait.ge [sflag:s29], $0x1  }
0xbb: {  	[sflag:s29] =	ssyncadd.s32 $0xFFFFFFFF  }
0xbc: {  	_ =	strace $0x9000004B  }
0xbd: {  	_ =	sfence  }
0xbe: {  	s30 =	sld [smem:$0x0];
	_ =	sdelay $0x2  }
0xbf: {  	s31 =	sshll.u32 s1, $0xD;
	s1 =	sshrl.u32 s1, $0x2  }
0xc0: {  	s3 =	sand.u32 $0x4000, s31;
	s1 =	sadd.s32 s1, s30  }
0xc1: {  	s0 =	sor.u32 s3, s0;
	s1 =	sshll.u32 s1, $0x11  }
0xc2: {  	s0 =	sor.u32 s1, s0  }
0xc3: {  	s0 =	sadd.s32 $0x8F2B, s0  }
0xc4: {  	[sflag:s0] =	ssyncadd.remote.s32 $0x1  }
0xc5: {  	_ =	sfence.sel $0xFFFF  }
0xc6: {  	[dreg:$0x0] =	wrdreg $0xFFFFFFFF;
	(pc) =	sbr.abs _section_cstart, $3  }
0xc7: {  	[dreg:$0x1] =	wrdreg $0xFFFFFFFF  }
0xc8: {  	_ =	task.clear_ibuf [dreg:s8], $0x2FFFF;
	_ =	strace $0x9FFFFFFF  }
0xc9: {  	(tm) =	ssettm $0x7FFFFFFF  }
tec
execute0_lowered:
.L_overlay_start_1:
0x0: {  	(tag) =	ssettag $0x1  }
0x1: {  	s6 =	rddreg [dreg:$0x0];
	s0 =	stileid.u32  }
0x2: {  	s2 =	rddreg [dreg:$0x1];
	s1 =	srdreg.scid  }
0x3: {  	s3 =	rddreg [dreg:$0x2];
	s13 =	simm.s32 $0x14050;
	s4 =	sshll.u32 s0, $0x1  }
0x4: {  	s14 =	simm.s32 $0x0;
	s5 =	sand.u32 $0x1, s1;
	s4 =	sand.u32 $0x6, s4  }
0x5: {  	s1 =	rddreg [dreg:$0x3];
	s8 =	sshrl.u32 s0, $0x2;
	s7 =	sor.u32 s5, s4  }
0x6: {  	s31 =	ssub.s32 $0x2, s5;
	s4 =	simm.s32 $0x0;
	s7 =	smul.u32 $0x9C40, s7  }
0x7: {  	s9 =	smul.u32 $0x4E200, s8;
	s11 =	sshrl.u32 s31, $0x1;
	[smem:$0x7FF] =	sst s4  }
0x8: {  	s5 =	sadd.s32 $0x15200, s6;
	_ =	strace $0x8000004A;
	s10 =	sshrl.u32 s7, $0x3  }
0x9: {  	s7 =	sadd.s32 s9, s7;
	s9 =	ssub.s32 s31, s11;
	s11 =	simm.s32 $0x9C40  }
0xa: {  	s10 =	sadd.s32 s10, s6;
	s7 =	sshrl.u32 s7, $0x3;
	s9 =	smax.u32 s9, $0x1  }
0xb: {  	s12 =	sadd.s32 s7, s6;
	s6 =	sadd.s32 $0x1800, s10;
	s7 =	smul.u32 $0x13880, s8  }
0xc: {  	s10 =	simm.s32 $0x1;
	s8 =	sadd.s32 $0x1F000, s12;
	s12 =	simm.s32 $0x13880  }
.LBB2_1:
0xd: {  	[tilespmem:s4], [sflag:$0x1] =	stream.linear.gather [hbm4b:s6+s4], $0x9C40, $0x38;
	[tilespmem:$0x14820] =	vst v63  }
0xe: {  	_ =	swait.ge [sflag:s10], $0x9C40  }
0xf: {  	[sflag:s10] =	ssyncset.done $0x0  }
0x10: {  	[sflag:s10] =	ssyncadd.s32 $0xFFFF63C0  }
0x11: {  	[tilespmem:s11], [sflag:$0x1] =	stream.linear.gather [hbm4b:s3+s4], $0x9C40, $0x38;
	[tilespmem:$0x14820] =	vst v63  }
0x12: {  	_ =	swait.ge [sflag:s10], $0x9C40  }
0x13: {  	[sflag:s10] =	ssyncset.done $0x0  }
0x14: {  	s15 =	simm.s32 $0x0;
	[sflag:s10] =	ssyncadd.s32 $0xFFFF63C0  }
.LBB2_2:
0x15: {  	s16 =	smul.u32 $0x7D0, s15;
	_ =	sdelay $0x1  }
0x16: {  	s16 =	sadd.s32 s7, s16  }
0x17: {  	s16 =	sshrl.u32 s16, $0x3  }
0x18: {  	s18 =	simm.s32 $0x0;
	s17 =	sadd.s32 s5, s16  }
0x19: {  	[tilespmem:s12], [sflag:$0x1] =	stream.linear.gather [hbm4b:s17+s18], $0x7D0, $0x38;
	[tilespmem:$0x14820] =	vst v63  }
0x1a: {  	_ =	swait.ge [sflag:s10], $0x7D0  }
0x1b: {  	[sflag:s10] =	ssyncset.done $0x0  }
0x1c: {  	s16 =	sadd.s32 s2, s16;
	[sflag:s10] =	ssyncadd.s32 $0xFFFFF830  }
0x1d: {  	[tilespmem:s13], [sflag:$0x1] =	stream.linear.gather [hbm4b:s16+s18], $0x7D0, $0x38;
	[tilespmem:$0x14820] =	vst v63  }
0x1e: {  	_ =	swait.ge [sflag:s10], $0x7D0  }
0x1f: {  	[sflag:s10] =	ssyncset.done $0x0  }
0x20: {  	s31 =	simm.s32 $0x0;
	[sflag:s10] =	ssyncadd.s32 $0xFFFFF830  }
0x21: {  	v0 =	vld [tilespmem:s31+$0x13880];
	_ =	sdelay $0x4  }
0x22: {  	v1 =	vld [tilespmem:s31+$0x14050];
	_ =	sdelay $0x2  }
0x23: {  	v2 =	vld.idx.msk [tilespmem:v0+s4+$0x0], $0xffff  }
0x24: {  	v3 =	vadd.s32 $0x2710, v0;
	_ =	sdelay $0x3  }
0x25: {  	[tilespmem:v1+s11+$0x0] =	vst.idx.add.f32.msk $0xffff, v2  }
0x26: {  	v2 =	vld.idx.msk [tilespmem:v3+s4+$0x0], $0xffff;
	v3 =	vadd.s32 $0x2710, v1  }
0x27: {  	v4 =	vadd.s32 $0x4E20, v0;
	_ =	sdelay $0x3  }
0x28: {  	[tilespmem:v3+s11+$0x0] =	vst.idx.add.f32.msk $0xffff, v2  }
0x29: {  	v3 =	vadd.s32 $0x4E20, v1;
	v2 =	vld.idx.msk [tilespmem:v4+s4+$0x0], $0xffff  }
0x2a: {  	v0 =	vadd.s32 $0x7530, v0;
	_ =	sdelay $0x3  }
0x2b: {  	[tilespmem:v3+s11+$0x0] =	vst.idx.add.f32.msk $0xffff, v2  }
0x2c: {  	s17 =	simm.s32 $0x80;
	s16 =	simm.s32 $0x40;
	v1 =	vadd.s32 $0x7530, v1;
	v0 =	vld.idx.msk [tilespmem:v0+s4+$0x0], $0xffff  }
.LBB2_3:
0x2d: {  	_ =	sdelay $0x2  }
0x2e: {  	p0 =	sne.s32 s17, $0x1F00  }
0x2f: {  	s18 =	sshra.s32 s16, $0x2;
	s16 =	smov.u32 s17;
	s17 =	sadd.s32 $0x40, s17;
	[tilespmem:v1+s11+$0x0] =	vst.idx.add.f32.msk $0xffff, v0  }
0x30: {  	v0 =	vld [tilespmem:s18+$0x13880];
	_ =	sdelay $0x5  }
0x31: {  	v1 =	vld [tilespmem:s18+$0x14050];
	_ =	sdelay $0x1  }
0x32: {  	v2 =	vld.idx.msk [tilespmem:v0+s4+$0x0], $0xffff;
	_ =	sdelay $0x1  }
0x33: {  	v3 =	vadd.s32 $0x2710, v0;
	_ =	sdelay $0x3  }
0x34: {  	[tilespmem:v1+s11+$0x0] =	vst.idx.add.f32.msk $0xffff, v2  }
0x35: {  	v2 =	vld.idx.msk [tilespmem:v3+s4+$0x0], $0xffff  }
0x36: {  	v3 =	vadd.s32 $0x2710, v1  }
0x37: {  	v4 =	vadd.s32 $0x4E20, v0;
	_ =	sdelay $0x3  }
0x38: {  	[tilespmem:v3+s11+$0x0] =	vst.idx.add.f32.msk $0xffff, v2  }
0x39: {  	v2 =	vld.idx.msk [tilespmem:v4+s4+$0x0], $0xffff  }
0x3a: {  	v3 =	vadd.s32 $0x4E20, v1  }
0x3b: {  	v0 =	vadd.s32 $0x7530, v0;
	_ =	sdelay $0x1  }
.Ltmp0:
0x3c: {  	(pc) =	sbr.rel @p0 .LBB2_3-.Ltmp0, $4  }
0x3d: {  	_ = 	snop  }
0x3e: {  	[tilespmem:v3+s11+$0x0] =	vst.idx.add.f32.msk $0xffff, v2  }
0x3f: {  	v0 =	vld.idx.msk [tilespmem:v0+s4+$0x0], $0xffff  }
0x40: {  	v1 =	vadd.s32 $0x7530, v1  }
0x41: {  	_ =	sdelay $0x3  }
0x42: {  	s16 =	sshra.s32 s16, $0x2;
	[tilespmem:v1+s11+$0x0] =	vst.idx.add.f32.msk $0xffff, v0  }
0x43: {  	v0 =	vld [tilespmem:s16+$0x13880];
	_ =	sdelay $0x4  }
0x44: {  	v1 =	vld [tilespmem:s16+$0x14050];
	_ =	sdelay $0x2  }
0x45: {  	v2 =	vld.idx.msk [tilespmem:v0+s4+$0x0], $0xffff  }
0x46: {  	v3 =	vadd.s32 $0x2710, v0;
	_ =	sdelay $0x3  }
0x47: {  	[tilespmem:v1+s11+$0x0] =	vst.idx.add.f32.msk $0xffff, v2  }
0x48: {  	v62 =	vadd.s32 $0x2710, v1;
	v2 =	vld.idx.msk [tilespmem:v3+s4+$0x0], $0xffff  }
0x49: {  	v4 =	vadd.s32 $0x4E20, v0;
	_ =	sdelay $0x3  }
0x4a: {  	[tilespmem:v62+s11+$0x0] =	vst.idx.add.f32.msk $0xffff, v2  }
0x4b: {  	v63 =	vadd.s32 $0x4E20, v1;
	v2 =	vld.idx.msk [tilespmem:v4+s4+$0x0], $0xffff  }
0x4c: {  	v0 =	vadd.s32 $0x7530, v0;
	_ =	sdelay $0x3  }
0x4d: {  	s15 =	sadd.s32 $0x1, s15;
	[tilespmem:v63+s11+$0x0] =	vst.idx.add.f32.msk $0xffff, v2  }
0x4e: {  	p0 =	sne.s32 s15, $0x28;
	v1 =	vadd.s32 $0x7530, v1;
	v0 =	vld.idx.msk [tilespmem:v0+s4+$0x0], $0xffff  }
.Ltmp1:
0x4f: {  	_ = 	snop;
	(pc) =	sbr.rel @p0 .LBB2_2-.Ltmp1, $2  }
0x50: {  	_ =	sdelay $0x2  }
0x51: {  	[tilespmem:v1+s11+$0x0] =	vst.idx.add.f32.msk $0xffff, v0  }
0x52: {  	s14 =	sadd.s32 $0x1, s14  }
0x53: {  	p0 =	sne.s32 s14, s9  }
.Ltmp2:
0x54: {  	_ = 	snop;
	(pc) =	sbr.rel @p0 .LBB2_1-.Ltmp2, $4  }
0x55: {  	[hbm4b:s8+s4] =	stream.linear.scatter [tilespmem:s11], [sflag:$0x1], $0x9C40, $0x38;
	[tilespmem:$0x14820] =	vst v63  }
0x56: {  	_ =	swait.ge [sflag:s10], $0x9C40  }
0x57: {  	[sflag:s10] =	ssyncset.done $0x0  }
0x58: {  	[sflag:s10] =	ssyncadd.s32 $0xFFFF63C0  }
0x59: {  	_ =	sfence.sel $0x180000  }
0x5a: {  	[bflag:$0x0] =	sbarrier.arrive $0xFFFF  }
0x5b: {  	p0 =	sne.s32 s0, $0x0;
	_ =	strace $0x9000004A  }
0x5c: {  	s0 =	sadd.s32 @!p0 $0x100000, s1;
	[bflag:$0x2] =	sbarrier.arrive $0xFFFF  }
0x5d: {  	[sflag:s0] =	ssyncadd.tile.s32 @!p0 $0x1;
	_ =	shalt  }
.Lfunc_end2:
_tile_overlayer_lowered:
.L_overlay_start_2:
0x5e: {  	(tag) =	ssettag $0x2  }
0x5f: {  	s0 =	rddreg [dreg:$0x0];
	s2 =	stileid.u32  }
0x60: {  	s1 =	rddreg [dreg:$0x1];
	p0 =	sne.s32 s2, $0x0  }
0x61: {  	s3 =	rddreg [dreg:$0x2];
	[bflag:$0x3] =	sbarrier.arrive $0xFFFF;
	s2 =	simm.s32 @!p0 $0x1C01  }
0x62: {  	[timem:s3], [sflag:s2] =	dma.local @!p0 [hbm:s0], s1  }
0x63: {  	s0 =	simm.s32 @!p0 $0x1  }
0x64: {  	_ =	swait.ge @!p0 [sflag:s0], s1  }
0x65: {  	s1 =	ssub.s32 @!p0 $0x0, s1;
	[sflag:s0] =	ssyncset.done @!p0 $0x0  }
0x66: {  	[sflag:s0] =	ssyncadd.s32 @!p0 s1  }
0x67: {  	[bflag:$0x3] =	sbarrier.arrive $0xFFFF  }
0x68: {  	_ =	shalt  }

// kernel: kernel.7.cloned.1.call-start
scs
__scs_entry_jumppad:
0x0: {  	(pc) =	sbr.rel $0x88, $3  }
0x1: {  	(tag) =	ssettag $0x0;
	lr =	simm.s32 $0x1  }
0x2: {  	[smem:$0x3F97] =	sst lr;
	_ =	strace $0xD0000000  }
0x3: {  	_ = 	snop  }
0x4: {  	_ = 	snop  }
0x5: {  	_ = 	snop  }
0x6: {  	_ = 	snop  }
0x7: {  	_ = 	snop  }
__scs_overlays_trampoline_lowered:
0x8: {  	[smem:$0x3FA6] =	sst s0  }
0x9: {  	[smem:$0x3FA7] =	sst s1  }
0xa: {  	[smem:$0x3FA8] =	sst s2  }
0xb: {  	[smem:$0x3FA9] =	sst s3  }
0xc: {  	[smem:$0x3FAA] =	sst s4  }
0xd: {  	[smem:$0x3FAB] =	sst s5  }
0xe: {  	[smem:$0x3FAC] =	sst s6  }
0xf: {  	[smem:$0x3FAD] =	sst s7  }
0x10: {  	[smem:$0x3FAE] =	sst s8  }
0x11: {  	[smem:$0x3FAF] =	sst s9;
	s0 =	simm.s32 @!p0 $0x0  }
0x12: {  	s1 =	sld [smem:$0x3F95];
	s0 =	simm.s32 @p0 $0x1  }
0x13: {  	[smem:$0x3FB0] =	sst s0;
	s0 =	simm.s32 @!p1 $0x0  }
0x14: {  	s2 =	sld [smem:$0x3F94];
	s0 =	simm.s32 @p1 $0x1  }
0x15: {  	[smem:$0x3FB1] =	sst s0;
	s0 =	simm.s32 @!p2 $0x0  }
0x16: {  	s3 =	sld [smem:$0x3FDB];
	s0 =	simm.s32 @p2 $0x1  }
0x17: {  	s4 =	simm.s32 $0x1BF5;
	[smem:$0x3FB3] =	sst s0  }
0x18: {  	s0 =	sld [smem:$0x3F96];
	_ =	swait.ge [sflag:s4], $0x0  }
0x19: {  	s7 =	sld [smem:$0x3F97]  }
0x1a: {  	s8 =	sadd.s32 $0xFFFFE003, lr  }
0x1b: {  	s9 =	sadd.s32 $0xFFFFFEF7, lr;
	s5 =	simm.s32 $0xFFFFFFFF;
	p2 =	slt.u32 s8, $0xFFFFF086  }
0x1c: {  	p1 =	slt.u32 s9, $0xF7A;
	s5 =	simm.s32 @!p2 $0x0  }
0x1d: {  	s5 =	simm.s32 @p1 $0x1;
	p0 =	seq.s32 s7, s2  }
0x1e: {  	s7 =	smul.u32 @!p0 $0xF7A, s2;
	p2 =	seq.s32 @!p0 s5, $0x0  }
0x1f: {  	s9 =	smul.u32 $0xF7A, s1;
	s8 =	simm.s32 @!p0 $0x1BF5;
	p2 =	por !p2, p0  }
0x20: {  	[sflag:s8] =	ssyncset.s32 @!p0 $0xFFFFF086;
	s6 =	sadd.s32 @!p0 s3, s7;
	s7 =	simm.s32 @!p0 $0x108  }
0x21: {  	s3 =	sadd.s32 s3, s9;
	s6 =	sadd.s32 @!p0 $0x88, s6;
	s7 =	simm.s32 @p2 $0x1082  }
0x22: {  	[simem:s7], [sflag:s8] =	dma.local @!p0 [hbm:s6], $0xF7A  }
0x23: {  	s9 =	sor.u32 $0xD0000000, s2;
	s6 =	simm.s32 $0x108;
	_ =	swait.ge @!p0 [sflag:s8], $0x0  }
0x24: {  	s3 =	sadd.s32 $0x88, s3;
	s6 =	simm.s32 @!p1 $0x1082;
	[sflag:s4] =	ssyncset.s32 $0xFFFFF086  }
0x25: {  	[simem:s6], [sflag:s4] =	dma.local [hbm:s3], $0xF7A  }
0x26: {  	[smem:$0x3F97] =	sst s1;
	(tag) =	ssettag s2;
	_ =	strace s9  }
0x27: {  	s1 =	sld [smem:$0x3FA7]  }
0x28: {  	s2 =	sld [smem:$0x3FA8]  }
0x29: {  	s4 =	sld [smem:$0x3FAA]  }
0x2a: {  	p0 =	seq.s32 s5, $0x0;
	s5 =	sld [smem:$0x3FAB]  }
0x2b: {  	s6 =	sld [smem:$0x3FAC]  }
0x2c: {  	s7 =	sld [smem:$0x3FAD]  }
0x2d: {  	s3 =	simm.s32 $0x108;
	s8 =	sld [smem:$0x3FAE]  }
0x2e: {  	s3 =	simm.s32 @!p0 $0x1082;
	s9 =	sld [smem:$0x3FAF]  }
0x2f: {  	lr =	sadd.s32 s0, s3;
	s0 =	sld [smem:$0x3FA6]  }
0x30: {  	s3 =	sld [smem:$0x3FA9]  }
0x31: {  	[smem:$0x3FB2] =	sst s10  }
0x32: {  	s10 =	sld [smem:$0x3FB0];
	_ =	sdelay $0x3  }
0x33: {  	p0 =	seq.s32 s10, $0x1;
	s10 =	sld [smem:$0x3FB2];
	_ =	sdelay $0x3  }
0x34: {  	[smem:$0x3FB2] =	sst s10  }
0x35: {  	s10 =	sld [smem:$0x3FB1];
	_ =	sdelay $0x3  }
0x36: {  	p1 =	seq.s32 s10, $0x1;
	s10 =	sld [smem:$0x3FB2];
	_ =	sdelay $0x3  }
0x37: {  	[smem:$0x3FB2] =	sst s10  }
0x38: {  	s10 =	sld [smem:$0x3FB3]  }
0x39: {  	_ = 	snop;
	(pc) =	sbr.ind lr, $3  }
0x3a: {  	_ = 	snop  }
0x3b: {  	_ = 	snop  }
0x3c: {  	p2 =	seq.s32 s10, $0x1;
	s10 =	sld [smem:$0x3FB2]  }
0x3d: {  	_ =	shalt  }
0x3e: {  	_ =	shalt  }
0x3f: {  	_ =	shalt  }
0x40: {  	_ =	shalt  }
0x41: {  	_ =	shalt  }
0x42: {  	_ =	shalt  }
0x43: {  	_ =	shalt  }
0x44: {  	_ =	shalt  }
0x45: {  	_ =	shalt  }
0x46: {  	_ =	shalt  }
0x47: {  	_ =	shalt  }
0x48: {  	_ =	shalt  }
0x49: {  	_ =	shalt  }
0x4a: {  	_ =	shalt  }
0x4b: {  	_ =	shalt  }
0x4c: {  	_ =	shalt  }
0x4d: {  	_ =	shalt  }
0x4e: {  	_ =	shalt  }
0x4f: {  	_ =	shalt  }
0x50: {  	_ =	shalt  }
0x51: {  	_ =	shalt  }
0x52: {  	_ =	shalt  }
0x53: {  	_ =	shalt  }
0x54: {  	_ =	shalt  }
0x55: {  	_ =	shalt  }
0x56: {  	_ =	shalt  }
0x57: {  	_ =	shalt  }
0x58: {  	_ =	shalt  }
0x59: {  	_ =	shalt  }
0x5a: {  	_ =	shalt  }
0x5b: {  	_ =	shalt  }
0x5c: {  	_ =	shalt  }
0x5d: {  	_ =	shalt  }
0x5e: {  	_ =	shalt  }
0x5f: {  	_ =	shalt  }
0x60: {  	_ =	shalt  }
0x61: {  	_ =	shalt  }
0x62: {  	_ =	shalt  }
0x63: {  	_ =	shalt  }
0x64: {  	_ =	shalt  }
0x65: {  	_ =	shalt  }
0x66: {  	_ =	shalt  }
0x67: {  	_ =	shalt  }
0x68: {  	_ =	shalt  }
0x69: {  	_ =	shalt  }
0x6a: {  	_ =	shalt  }
0x6b: {  	_ =	shalt  }
0x6c: {  	_ =	shalt  }
0x6d: {  	_ =	shalt  }
0x6e: {  	_ =	shalt  }
0x6f: {  	_ =	shalt  }
0x70: {  	_ =	shalt  }
0x71: {  	_ =	shalt  }
0x72: {  	_ =	shalt  }
0x73: {  	_ =	shalt  }
0x74: {  	_ =	shalt  }
0x75: {  	_ =	shalt  }
0x76: {  	_ =	shalt  }
0x77: {  	_ =	shalt  }
0x78: {  	_ =	shalt  }
0x79: {  	_ =	shalt  }
0x7a: {  	_ =	shalt  }
0x7b: {  	_ =	shalt  }
0x7c: {  	_ =	shalt  }
0x7d: {  	_ =	shalt  }
0x7e: {  	_ =	shalt  }
0x7f: {  	_ =	shalt  }
0x80: {  	_ =	shalt  }
0x81: {  	_ =	shalt  }
0x82: {  	_ =	shalt  }
0x83: {  	_ =	shalt  }
0x84: {  	_ =	shalt  }
0x85: {  	_ =	shalt  }
0x86: {  	_ =	shalt  }
0x87: {  	_ =	shalt  }
.Lfunc_end0:
.L_simem_size_0:
called_computation_lowered:
.L_overlay_start_0:
0x88: {  	s2 =	sld [smem:$0x3FD9]  }
0x89: {  	s3 =	sld [smem:$0x3FFE];
	_ =	sdelay $0x1  }
0x8a: {  	s1 =	srdreg.scid  }
0x8b: {  	s0 =	sand.u32 $0x1, s1  }
0x8c: {  	s14 =	sshll.u32 s0, $0xA;
	s2 =	sadd.s32 s3, s2  }
0x8d: {  	s2 =	sadd.s32 s2, s14  }
0x8e: {  	[smem:$0x3FBE] =	sst s2  }
0x8f: {  	_ = 	snop  }
0x90: {  	s2 =	sld [smem:$0x3FD0];
	_ =	sdelay $0x2  }
0x91: {  	s15 =	simm.s32 $0xA;
	s4 =	simm.s32 $0x10  }
0x92: {  	[smem:s4], [sflag:s15] =	dma.local [hbm:s2], $0x1  }
0x93: {  	_ =	swait.eq [sflag:s15], $0x1  }
0x94: {  	[sflag:s15] =	ssyncset.done $0x0  }
0x95: {  	s16 =	sld [smem:$0x10];
	[sflag:s15] =	ssyncadd.s32 $0xFFFFFFFF  }
0x96: {  	s17 =	sld [smem:$0x11];
	(tm) =	ssettm $0x1  }
0x97: {  	s18 =	sld [smem:$0x3FFB];
	_ =	sdelay $0x3  }
0x98: {  	_ =	strace s18  }
0x99: {  	s4 =	sld [smem:$0x3FFC];
	_ =	sdelay $0x3  }
0x9a: {  	_ =	strace s4  }
0x9b: {  	s4 =	sld [smem:$0x3FFD];
	_ =	sdelay $0x3  }
0x9c: {  	_ =	strace s4  }
0x9d: {  	_ =	strace $0x8FFFFFFF  }
0x9e: {  	s19 =	sld [smem:$0x3FDB];
	_ =	sdelay $0x1  }
0x9f: {  	s5 =	simm.s32 $_scs_section_size  }
0xa0: {  	s6 =	simm.s32 $_size__tile_overlayer_lowered;
	s7 =	simm.s32 $_tile_overlayer_lowered  }
0xa1: {  	s22 =	simm.s32 $0x1BFF;
	s21 =	sshll.u32 s7, $0x1;
	s4 =	sadd.s32 s5, s19  }
0xa2: {  	s8 =	simm.s32 $0x0;
	s20 =	sshll.u32 s6, $0x1;
	s6 =	sadd.s32 s21, s4  }
0xa3: {  	[timem:s8], [sflag:s22] =	dma.local [hbm:s6], s20  }
0xa4: {  	_ =	swait.ge [sflag:s22], s20  }
0xa5: {  	s5 =	ssub.s32 $0x0, s20;
	[sflag:s22] =	ssyncset.done $0x0  }
0xa6: {  	[sflag:s22] =	ssyncadd.s32 s5;
	_ =	sdelay $0x1  }
0xa7: {  	s23 =	simm.s32 $0x1B8B  }
0xa8: {  	_ =	swait.ge [sflag:s23], $0x1  }
0xa9: {  	[sflag:s23] =	ssyncset.done $0x0  }
0xaa: {  	s25 =	simm.s32 $0x1B8E;
	s24 =	sld [smem:$0x3FFE];
	[sflag:s23] =	ssyncadd.s32 $0xFFFFFFFF  }
0xab: {  	s26 =	simm.s32 $execute0_lowered;
	[smem:$0x3FD2] =	sst s25  }
0xac: {  	s6 =	sshll.u32 s26, $0x1;
	_ =	strace $0x80000046;
	[dreg:$0x1] =	wrdreg $0xFFFFFFFF  }
0xad: {  	s28 =	simm.s32 $_size_execute0_lowered;
	s4 =	sadd.s32 s4, s6;
	[dreg:$0x0] =	wrdreg $0x0  }
0xae: {  	s6 =	sshll.u32 s28, $0x1;
	[dreg:$0x2] =	wrdreg s4  }
0xaf: {  	[dreg:$0x3] =	wrdreg s6  }
0xb0: {  	[dreg:$0x4] =	wrdreg $0xC0  }
0xb1: {  	_ =	task [dreg:s8], $0x5FFFF  }
0xb2: {  	[dreg:$0x1] =	wrdreg $0xFFFFFFFF  }
0xb3: {  	[dreg:$0x0] =	wrdreg $0x60  }
0xb4: {  	[dreg:$0x2] =	wrdreg s24  }
0xb5: {  	[dreg:$0x3] =	wrdreg s17  }
0xb6: {  	[dreg:$0x4] =	wrdreg s16  }
0xb7: {  	[dreg:$0x5] =	wrdreg $0x9  }
0xb8: {  	_ =	task.clear_ibuf [dreg:s8], $0x6FFFF;
	_ =	strace $0x90000046  }
0xb9: {  	s29 =	simm.s32 $0x9;
	_ =	strace $0x80000048  }
0xba: {  	_ =	swait.ge [sflag:s29], $0x1  }
0xbb: {  	[sflag:s29] =	ssyncadd.s32 $0xFFFFFFFF  }
0xbc: {  	_ =	strace $0x90000048  }
0xbd: {  	_ =	sfence  }
0xbe: {  	s30 =	sld [smem:$0x0];
	_ =	sdelay $0x2  }
0xbf: {  	s31 =	sshll.u32 s1, $0xD;
	s1 =	sshrl.u32 s1, $0x2  }
0xc0: {  	s3 =	sand.u32 $0x4000, s31;
	s1 =	sadd.s32 s1, s30  }
0xc1: {  	s0 =	sor.u32 s3, s0;
	s1 =	sshll.u32 s1, $0x11  }
0xc2: {  	s0 =	sor.u32 s1, s0  }
0xc3: {  	s0 =	sadd.s32 $0x8F2B, s0  }
0xc4: {  	[sflag:s0] =	ssyncadd.remote.s32 $0x1  }
0xc5: {  	_ =	sfence.sel $0xFFFF  }
0xc6: {  	[dreg:$0x0] =	wrdreg $0xFFFFFFFF;
	(pc) =	sbr.abs _section_cstart, $3  }
0xc7: {  	[dreg:$0x1] =	wrdreg $0xFFFFFFFF  }
0xc8: {  	_ =	task.clear_ibuf [dreg:s8], $0x2FFFF;
	_ =	strace $0x9FFFFFFF  }
0xc9: {  	(tm) =	ssettm $0x7FFFFFFF  }
tec
execute0_lowered:
.L_overlay_start_1:
0x0: {  	(tag) =	ssettag $0x1  }
0x1: {  	s6 =	rddreg [dreg:$0x0]  }
0x2: {  	s1 =	srdreg.scid;
	s2 =	rddreg [dreg:$0x1]  }
0x3: {  	s0 =	stileid.u32;
	s3 =	rddreg [dreg:$0x2]  }
0x4: {  	s4 =	simm.s32 $0x0;
	s16 =	simm.s32 $0x1;
	s17 =	simm.s32 $0x9C40  }
0x5: {  	s18 =	simm.s32 $0x13880;
	s19 =	simm.s32 $0x14050;
	s20 =	simm.s32 $0x14820  }
0x6: {  	s21 =	simm.s32 $0x0;
	s7 =	sand.u32 $0x1, s1;
	s30 =	sshll.u32 s0, $0x1  }
0x7: {  	s1 =	rddreg [dreg:$0x3];
	s9 =	sshrl.u32 s0, $0x2;
	s5 =	sor.u32 s7, s30  }
0x8: {  	[smem:$0x7FF] =	sst s4;
	s10 =	smul.u32 $0x4E200, s9;
	s8 =	sand.u32 $0x7, s5  }
0x9: {  	_ =	strace $0x80000047;
	s7 =	ssub.s32 $0x2, s7;
	s8 =	smul.u32 $0x9C40, s8  }
0xa: {  	s31 =	smul.u32 $0x2710, s5;
	s5 =	sadd.s32 $0x15200, s6;
	s12 =	sshrl.u32 s7, $0x1  }
0xb: {  	s12 =	ssub.s32 s7, s12;
	s7 =	smul.u32 $0x13880, s9;
	s11 =	sshrl.u32 s8, $0x3  }
0xc: {  	s8 =	sadd.s32 s10, s8;
	s10 =	sshrl.u32 s31, $0x3;
	s11 =	sadd.s32 s11, s6  }
0xd: {  	s8 =	sshrl.u32 s8, $0x3;
	s13 =	sadd.s32 s10, s6;
	s9 =	sadd.s32 s2, s10  }
0xe: {  	s8 =	sadd.s32 s8, s6;
	s6 =	sadd.s32 $0x1800, s11;
	s10 =	sadd.s32 $0x46200, s13  }
0xf: {  	s11 =	smax.u32 s12, $0x1;
	s12 =	sadd.s32 $0xFA, s9;
	s13 =	sadd.s32 $0x1F4, s9  }
0x10: {  	v0 =	vimm.f32 $0.0e+00;
	v1 =	vimm.f32 $1.000000000e+00;
	s14 =	sadd.s32 $0x2EE, s9;
	s15 =	sadd.s32 $0x3E8, s9;
	s8 =	sadd.s32 $0x1F000, s8  }
.LBB2_1:
0x11: {  	[tilespmem:s4], [sflag:$0x1] =	stream.linear.gather [hbm4b:s6+s4], $0x9C40, $0x38;
	[tilespmem:$0x16F30] =	vst v63  }
0x12: {  	_ =	swait.ge [sflag:s16], $0x9C40  }
0x13: {  	[sflag:s16] =	ssyncset.done $0x0  }
0x14: {  	[sflag:s16] =	ssyncadd.s32 $0xFFFF63C0  }
0x15: {  	[tilespmem:s17], [sflag:$0x1] =	stream.linear.gather [hbm4b:s3+s4], $0x9C40, $0x38;
	[tilespmem:$0x16F30] =	vst v63  }
0x16: {  	_ =	swait.ge [sflag:s16], $0x9C40  }
0x17: {  	[sflag:s16] =	ssyncset.done $0x0  }
0x18: {  	s22 =	simm.s32 $0x0;
	[sflag:s16] =	ssyncadd.s32 $0xFFFF63C0  }
.LBB2_2:
0x19: {  	s23 =	smul.u32 $0x7D0, s22;
	_ =	sdelay $0x1  }
0x1a: {  	s23 =	sadd.s32 s7, s23  }
0x1b: {  	s23 =	sshrl.u32 s23, $0x3  }
0x1c: {  	s25 =	simm.s32 $0x0;
	s24 =	sadd.s32 s5, s23  }
0x1d: {  	[tilespmem:s18], [sflag:$0x1] =	stream.linear.gather [hbm4b:s24+s25], $0x7D0, $0x38;
	[tilespmem:$0x16F30] =	vst v63  }
0x1e: {  	_ =	swait.ge [sflag:s16], $0x7D0  }
0x1f: {  	[sflag:s16] =	ssyncset.done $0x0  }
0x20: {  	s23 =	sadd.s32 s2, s23;
	[sflag:s16] =	ssyncadd.s32 $0xFFFFF830  }
0x21: {  	[tilespmem:s19], [sflag:$0x1] =	stream.linear.gather [hbm4b:s23+s25], $0x7D0, $0x38;
	[tilespmem:$0x16F30] =	vst v63  }
0x22: {  	_ =	swait.ge [sflag:s16], $0x7D0  }
0x23: {  	[sflag:s16] =	ssyncset.done $0x0  }
0x24: {  	s31 =	simm.s32 $0x0;
	[sflag:s16] =	ssyncadd.s32 $0xFFFFF830  }
0x25: {  	v2 =	vld [tilespmem:s31+$0x13880];
	_ =	sdelay $0x4  }
0x26: {  	v3 =	vld [tilespmem:s31+$0x14050];
	_ =	sdelay $0x2  }
0x27: {  	v4 =	vld.idx.msk [tilespmem:v2+s4+$0x0], $0xffff  }
0x28: {  	v5 =	vadd.s32 $0x2710, v2;
	_ =	sdelay $0x3  }
0x29: {  	[tilespmem:v3+s17+$0x0] =	vst.idx.add.f32.msk $0xffff, v4  }
0x2a: {  	v4 =	vld.idx.msk [tilespmem:v5+s4+$0x0], $0xffff;
	v5 =	vadd.s32 $0x2710, v3  }
0x2b: {  	v6 =	vadd.s32 $0x4E20, v2;
	_ =	sdelay $0x3  }
0x2c: {  	[tilespmem:v5+s17+$0x0] =	vst.idx.add.f32.msk $0xffff, v4  }
0x2d: {  	v5 =	vadd.s32 $0x4E20, v3;
	v4 =	vld.idx.msk [tilespmem:v6+s4+$0x0], $0xffff  }
0x2e: {  	v2 =	vadd.s32 $0x7530, v2;
	_ =	sdelay $0x3  }
0x2f: {  	[tilespmem:v5+s17+$0x0] =	vst.idx.add.f32.msk $0xffff, v4  }
0x30: {  	s24 =	simm.s32 $0x80;
	s23 =	simm.s32 $0x40;
	v3 =	vadd.s32 $0x7530, v3;
	v2 =	vld.idx.msk [tilespmem:v2+s4+$0x0], $0xffff  }
.LBB2_3:
0x31: {  	_ =	sdelay $0x2  }
0x32: {  	p0 =	sne.s32 s24, $0x1F00  }
0x33: {  	s25 =	sshra.s32 s23, $0x2;
	s23 =	smov.u32 s24;
	s24 =	sadd.s32 $0x40, s24;
	[tilespmem:v3+s17+$0x0] =	vst.idx.add.f32.msk $0xffff, v2  }
0x34: {  	v2 =	vld [tilespmem:s25+$0x13880];
	_ =	sdelay $0x5  }
0x35: {  	v3 =	vld [tilespmem:s25+$0x14050];
	_ =	sdelay $0x1  }
0x36: {  	v4 =	vld.idx.msk [tilespmem:v2+s4+$0x0], $0xffff;
	_ =	sdelay $0x1  }
0x37: {  	v5 =	vadd.s32 $0x2710, v2;
	_ =	sdelay $0x3  }
0x38: {  	[tilespmem:v3+s17+$0x0] =	vst.idx.add.f32.msk $0xffff, v4  }
0x39: {  	v4 =	vld.idx.msk [tilespmem:v5+s4+$0x0], $0xffff  }
0x3a: {  	v5 =	vadd.s32 $0x2710, v3  }
0x3b: {  	v6 =	vadd.s32 $0x4E20, v2;
	_ =	sdelay $0x3  }
0x3c: {  	[tilespmem:v5+s17+$0x0] =	vst.idx.add.f32.msk $0xffff, v4  }
0x3d: {  	v4 =	vld.idx.msk [tilespmem:v6+s4+$0x0], $0xffff  }
0x3e: {  	v5 =	vadd.s32 $0x4E20, v3  }
0x3f: {  	v2 =	vadd.s32 $0x7530, v2;
	_ =	sdelay $0x1  }
.Ltmp0:
0x40: {  	(pc) =	sbr.rel @p0 .LBB2_3-.Ltmp0, $4  }
0x41: {  	_ = 	snop  }
0x42: {  	[tilespmem:v5+s17+$0x0] =	vst.idx.add.f32.msk $0xffff, v4  }
0x43: {  	v2 =	vld.idx.msk [tilespmem:v2+s4+$0x0], $0xffff  }
0x44: {  	v3 =	vadd.s32 $0x7530, v3  }
0x45: {  	_ =	sdelay $0x3  }
0x46: {  	s23 =	sshra.s32 s23, $0x2;
	[tilespmem:v3+s17+$0x0] =	vst.idx.add.f32.msk $0xffff, v2  }
0x47: {  	v2 =	vld [tilespmem:s23+$0x13880];
	_ =	sdelay $0x4  }
0x48: {  	v3 =	vld [tilespmem:s23+$0x14050];
	_ =	sdelay $0x2  }
0x49: {  	v4 =	vld.idx.msk [tilespmem:v2+s4+$0x0], $0xffff  }
0x4a: {  	v5 =	vadd.s32 $0x2710, v2;
	_ =	sdelay $0x3  }
0x4b: {  	[tilespmem:v3+s17+$0x0] =	vst.idx.add.f32.msk $0xffff, v4  }
0x4c: {  	v62 =	vadd.s32 $0x2710, v3;
	v4 =	vld.idx.msk [tilespmem:v5+s4+$0x0], $0xffff  }
0x4d: {  	v6 =	vadd.s32 $0x4E20, v2;
	_ =	sdelay $0x3  }
0x4e: {  	[tilespmem:v62+s17+$0x0] =	vst.idx.add.f32.msk $0xffff, v4  }
0x4f: {  	v63 =	vadd.s32 $0x4E20, v3;
	v4 =	vld.idx.msk [tilespmem:v6+s4+$0x0], $0xffff  }
0x50: {  	v2 =	vadd.s32 $0x7530, v2;
	_ =	sdelay $0x3  }
0x51: {  	s22 =	sadd.s32 $0x1, s22;
	[tilespmem:v63+s17+$0x0] =	vst.idx.add.f32.msk $0xffff, v4  }
0x52: {  	p0 =	sne.s32 s22, $0x28;
	v3 =	vadd.s32 $0x7530, v3;
	v2 =	vld.idx.msk [tilespmem:v2+s4+$0x0], $0xffff  }
.Ltmp1:
0x53: {  	_ = 	snop;
	(pc) =	sbr.rel @p0 .LBB2_2-.Ltmp1, $2  }
0x54: {  	_ =	sdelay $0x2  }
0x55: {  	[tilespmem:v3+s17+$0x0] =	vst.idx.add.f32.msk $0xffff, v2  }
0x56: {  	s22 =	simm.s32 $0x0  }
0x57: {  	[hbm4b:s8+s22] =	stream.linear.scatter [tilespmem:s17], [sflag:$0x1], $0x9C40, $0x38;
	[tilespmem:$0x16F30] =	vst v63  }
0x58: {  	_ =	swait.ge [sflag:s16], $0x9C40  }
0x59: {  	[sflag:s16] =	ssyncset.done $0x0  }
0x5a: {  	s23 =	simm.s32 $0x0;
	s22 =	simm.s32 $0x40;
	[sflag:s16] =	ssyncadd.s32 $0xFFFF63C0  }
.LBB2_6:
0x5b: {  	p0 =	sne.s32 s22, $0x9C00;
	[tilespmem:s23+$0x14820] =	vst v0;
	s23 =	smov.u32 s22;
	s22 =	sadd.s32 $0x40, s22  }
.Ltmp2:
0x5c: {  	(pc) =	sbr.rel @p0 .LBB2_6-.Ltmp2, $2  }
0x5d: {  	_ =	sdelay $0x2  }
0x5e: {  	s23 =	sshra.s32 s23, $0x2  }
0x5f: {  	[tilespmem:s23+$0x14820] =	vst v0;
	s22 =	simm.s32 $0x0  }
0x60: {  	[tilespmem:s19], [sflag:$0x1] =	stream.linear.gather [hbm4b:s9+s22], $0x7D0, $0x38;
	[tilespmem:$0x16F30] =	vst v63  }
0x61: {  	_ =	swait.ge [sflag:s16], $0x7D0  }
0x62: {  	[sflag:s16] =	ssyncset.done $0x0  }
0x63: {  	s23 =	simm.s32 $0x0;
	s22 =	simm.s32 $0x40;
	[sflag:s16] =	ssyncadd.s32 $0xFFFFF830  }
.LBB2_8:
0x64: {  	p0 =	sne.s32 s22, $0x1F00;
	v2 =	vld [tilespmem:s23+$0x14050];
	_ =	sdelay $0x3  }
.Ltmp3:
0x65: {  	(pc) =	sbr.rel @p0 .LBB2_8-.Ltmp3, $2  }
0x66: {  	_ =	sdelay $0x2  }
0x67: {  	s23 =	sshra.s32 s22, $0x2;
	s22 =	sadd.s32 $0x40, s22;
	[tilespmem:v2+s20+$0x0] =	vst.idx.add.f32.msk $0xffff, v1  }
0x68: {  	v2 =	vld [tilespmem:s23+$0x14050];
	_ =	sdelay $0x7  }
0x69: {  	s22 =	simm.s32 $0x0;
	[tilespmem:v2+s20+$0x0] =	vst.idx.add.f32.msk $0xffff, v1  }
0x6a: {  	[tilespmem:s19], [sflag:$0x1] =	stream.linear.gather [hbm4b:s12+s22], $0x7D0, $0x38;
	[tilespmem:$0x16F30] =	vst v63  }
0x6b: {  	_ =	swait.ge [sflag:s16], $0x7D0  }
0x6c: {  	[sflag:s16] =	ssyncset.done $0x0  }
0x6d: {  	s23 =	simm.s32 $0x0;
	s22 =	simm.s32 $0x40;
	[sflag:s16] =	ssyncadd.s32 $0xFFFFF830  }
.LBB2_10:
0x6e: {  	p0 =	sne.s32 s22, $0x1F00;
	v2 =	vld [tilespmem:s23+$0x14050];
	_ =	sdelay $0x3  }
.Ltmp4:
0x6f: {  	(pc) =	sbr.rel @p0 .LBB2_10-.Ltmp4, $2  }
0x70: {  	_ =	sdelay $0x2  }
0x71: {  	s23 =	sshra.s32 s22, $0x2;
	s22 =	sadd.s32 $0x40, s22;
	[tilespmem:v2+s20+$0x0] =	vst.idx.add.f32.msk $0xffff, v1  }
0x72: {  	v2 =	vld [tilespmem:s23+$0x14050];
	_ =	sdelay $0x7  }
0x73: {  	s22 =	simm.s32 $0x0;
	[tilespmem:v2+s20+$0x0] =	vst.idx.add.f32.msk $0xffff, v1  }
0x74: {  	[tilespmem:s19], [sflag:$0x1] =	stream.linear.gather [hbm4b:s13+s22], $0x7D0, $0x38;
	[tilespmem:$0x16F30] =	vst v63  }
0x75: {  	_ =	swait.ge [sflag:s16], $0x7D0  }
0x76: {  	[sflag:s16] =	ssyncset.done $0x0  }
0x77: {  	s23 =	simm.s32 $0x0;
	s22 =	simm.s32 $0x40;
	[sflag:s16] =	ssyncadd.s32 $0xFFFFF830  }
.LBB2_12:
0x78: {  	p0 =	sne.s32 s22, $0x1F00;
	v2 =	vld [tilespmem:s23+$0x14050];
	_ =	sdelay $0x3  }
.Ltmp5:
0x79: {  	(pc) =	sbr.rel @p0 .LBB2_12-.Ltmp5, $2  }
0x7a: {  	_ =	sdelay $0x2  }
0x7b: {  	s23 =	sshra.s32 s22, $0x2;
	s22 =	sadd.s32 $0x40, s22;
	[tilespmem:v2+s20+$0x0] =	vst.idx.add.f32.msk $0xffff, v1  }
0x7c: {  	v2 =	vld [tilespmem:s23+$0x14050];
	_ =	sdelay $0x7  }
0x7d: {  	s22 =	simm.s32 $0x0;
	[tilespmem:v2+s20+$0x0] =	vst.idx.add.f32.msk $0xffff, v1  }
0x7e: {  	[tilespmem:s19], [sflag:$0x1] =	stream.linear.gather [hbm4b:s14+s22], $0x7D0, $0x38;
	[tilespmem:$0x16F30] =	vst v63  }
0x7f: {  	_ =	swait.ge [sflag:s16], $0x7D0  }
0x80: {  	[sflag:s16] =	ssyncset.done $0x0  }
0x81: {  	s23 =	simm.s32 $0x0;
	s22 =	simm.s32 $0x40;
	[sflag:s16] =	ssyncadd.s32 $0xFFFFF830  }
.LBB2_14:
0x82: {  	p0 =	sne.s32 s22, $0x1F00;
	v2 =	vld [tilespmem:s23+$0x14050];
	_ =	sdelay $0x3  }
.Ltmp6:
0x83: {  	(pc) =	sbr.rel @p0 .LBB2_14-.Ltmp6, $2  }
0x84: {  	_ =	sdelay $0x2  }
0x85: {  	s23 =	sshra.s32 s22, $0x2;
	s22 =	sadd.s32 $0x40, s22;
	[tilespmem:v2+s20+$0x0] =	vst.idx.add.f32.msk $0xffff, v1  }
0x86: {  	v2 =	vld [tilespmem:s23+$0x14050];
	_ =	sdelay $0x7  }
0x87: {  	s22 =	simm.s32 $0x0;
	[tilespmem:v2+s20+$0x0] =	vst.idx.add.f32.msk $0xffff, v1  }
0x88: {  	[tilespmem:s19], [sflag:$0x1] =	stream.linear.gather [hbm4b:s15+s22], $0x7D0, $0x38;
	[tilespmem:$0x16F30] =	vst v63  }
0x89: {  	_ =	swait.ge [sflag:s16], $0x7D0  }
0x8a: {  	[sflag:s16] =	ssyncset.done $0x0  }
0x8b: {  	s23 =	simm.s32 $0x0;
	s22 =	simm.s32 $0x40;
	[sflag:s16] =	ssyncadd.s32 $0xFFFFF830  }
.LBB2_16:
0x8c: {  	p0 =	sne.s32 s22, $0x1F00;
	v2 =	vld [tilespmem:s23+$0x14050];
	_ =	sdelay $0x3  }
.Ltmp7:
0x8d: {  	(pc) =	sbr.rel @p0 .LBB2_16-.Ltmp7, $2  }
0x8e: {  	_ =	sdelay $0x2  }
0x8f: {  	s23 =	sshra.s32 s22, $0x2;
	s22 =	sadd.s32 $0x40, s22;
	[tilespmem:v2+s20+$0x0] =	vst.idx.add.f32.msk $0xffff, v1  }
0x90: {  	v2 =	vld [tilespmem:s23+$0x14050];
	_ =	sdelay $0x5  }
0x91: {  	s21 =	sadd.s32 $0x1, s21  }
0x92: {  	p0 =	sne.s32 s21, s11  }
.Ltmp8:
0x93: {  	[tilespmem:v2+s20+$0x0] =	vst.idx.add.f32.msk $0xffff, v1;
	(pc) =	sbr.rel @p0 .LBB2_1-.Ltmp8, $4  }
0x94: {  	[hbm4b:s10+s4] =	stream.linear.scatter [tilespmem:s20], [sflag:$0x1], $0x2710, $0x38;
	[tilespmem:$0x16F30] =	vst v63  }
0x95: {  	_ =	swait.ge [sflag:s16], $0x2710  }
0x96: {  	[sflag:s16] =	ssyncset.done $0x0  }
0x97: {  	[sflag:s16] =	ssyncadd.s32 $0xFFFFD8F0  }
0x98: {  	_ =	sfence.sel $0x180000  }
0x99: {  	[bflag:$0x0] =	sbarrier.arrive $0xFFFF  }
0x9a: {  	p0 =	sne.s32 s0, $0x0;
	_ =	strace $0x90000047  }
0x9b: {  	s0 =	sadd.s32 @!p0 $0x100000, s1;
	[bflag:$0x2] =	sbarrier.arrive $0xFFFF  }
0x9c: {  	[sflag:s0] =	ssyncadd.tile.s32 @!p0 $0x1;
	_ =	shalt  }
.Lfunc_end2:
_tile_overlayer_lowered:
.L_overlay_start_2:
0x9d: {  	(tag) =	ssettag $0x2  }
0x9e: {  	s0 =	rddreg [dreg:$0x0];
	s2 =	stileid.u32  }
0x9f: {  	s1 =	rddreg [dreg:$0x1];
	p0 =	sne.s32 s2, $0x0  }
0xa0: {  	s3 =	rddreg [dreg:$0x2];
	[bflag:$0x3] =	sbarrier.arrive $0xFFFF;
	s2 =	simm.s32 @!p0 $0x1C01  }
0xa1: {  	[timem:s3], [sflag:s2] =	dma.local @!p0 [hbm:s0], s1  }
0xa2: {  	s0 =	simm.s32 @!p0 $0x1  }
0xa3: {  	_ =	swait.ge @!p0 [sflag:s0], s1  }
0xa4: {  	s1 =	ssub.s32 @!p0 $0x0, s1;
	[sflag:s0] =	ssyncset.done @!p0 $0x0  }
0xa5: {  	[sflag:s0] =	ssyncadd.s32 @!p0 s1  }
0xa6: {  	[bflag:$0x3] =	sbarrier.arrive $0xFFFF  }
0xa7: {  	_ =	shalt  }

</sc_bundles>
